<compile_context>
chip_gen: v7x
topology: tpu7x:2x2x1
jax: 0.10.2.dev20260603
libtpu: 0.0.44.dev20260713+nightly
codegen_flags: <defaults>
</compile_context>

<pallas_src>
import functools

import jax
import jax.numpy as jnp
from jax import lax
from jax.experimental import pallas as pl
from jax.experimental.pallas import tpu as pltpu
from jax.experimental.pallas import tpu_sc as plsc

_HIDDEN = 128
_NW = 32
_CHUNK = 128
_NBUF = 4
_LEAD = 2


@functools.cache
def _make_emb_kernel(n_tokens, vocab):
    chunks_per_w = n_tokens // (_NW * _CHUNK)
    assert chunks_per_w % _NBUF == 0 and chunks_per_w >= 2 * _NBUF
    mesh = plsc.VectorSubcoreMesh(core_axis_name="c", subcore_axis_name="s")

    @functools.partial(
        pl.kernel,
        mesh=mesh,
        out_type=jax.ShapeDtypeStruct((n_tokens, _HIDDEN), jnp.float32),
        scratch_types=[
            pltpu.VMEM((chunks_per_w, _CHUNK), jnp.int32),
            pltpu.VMEM((_NBUF, _CHUNK, _HIDDEN), jnp.float32),
        ]
        + [pltpu.SemaphoreType.DMA] * (2 * _NBUF),
    )
    def emb(idx_hbm, table_hbm, out_hbm, idx_v, rows_v, *sems):
        gs, ss = sems[:_NBUF], sems[_NBUF:]
        wid = lax.axis_index("s") * 2 + lax.axis_index("c")
        base = wid * (chunks_per_w * _CHUNK)
        pltpu.sync_copy(idx_hbm.at[wid], idx_v)

        def g_copy(j, b):
            return pltpu.make_async_copy(
                table_hbm.at[idx_v.at[j]], rows_v.at[b], gs[b])

        def s_copy(j, b):
            return pltpu.make_async_copy(
                rows_v.at[b], out_hbm.at[pl.ds(base + j * _CHUNK, _CHUNK)], ss[b])

        for j in range(_LEAD):
            g_copy(j, j % _NBUF).start()

        for b in range(_NBUF):
            j = b
            if j >= _LEAD:
                s_copy(j - _LEAD, (b - _LEAD) % _NBUF).wait()
            g_copy(j + _LEAD, (b + _LEAD) % _NBUF).start()
            g_copy(j, b).wait()
            s_copy(j, b).start()

        def group(g, carry):
            j0 = g * _NBUF
            for b in range(_NBUF):
                j = j0 + b
                s_copy(j - _LEAD, (b - _LEAD) % _NBUF).wait()
                g_copy(j + _LEAD, (b + _LEAD) % _NBUF).start()
                g_copy(j, b).wait()
                s_copy(j, b).start()
            return carry

        lax.fori_loop(1, chunks_per_w // _NBUF - 1, group, 0)

        j0 = chunks_per_w - _NBUF
        for b in range(_NBUF):
            j = j0 + b
            s_copy(j - _LEAD, (b - _LEAD) % _NBUF).wait()
            if j + _LEAD < chunks_per_w:
                g_copy(j + _LEAD, (b + _LEAD) % _NBUF).start()
            g_copy(j, b).wait()
            s_copy(j, b).start()

        for b in range(_NBUF - _LEAD, _NBUF):
            s_copy(j0 + b, b).wait()

    return emb


def kernel(input_ids, embed_tokens_weight):
    batch, seq = input_ids.shape
    vocab, hidden = embed_tokens_weight.shape
    n_tokens = batch * seq
    idx = input_ids.astype(jnp.int32).reshape(_NW, n_tokens // (_NW * _CHUNK), _CHUNK)
    out = _make_emb_kernel(n_tokens, vocab)(idx, embed_tokens_weight)
    return out.reshape(batch, seq, hidden)

# --- scband reference (transcript-rebuilt; emitter-appended) ---
"""Pipeline reference for scband-fake-language-inner-model-6141803233973 (READ-ONLY COPY).

The authoritative reference and input builder live on the scoring server;
editing this copy changes nothing except your own understanding.
"""

import jax, jax.numpy as jnp
import numpy as np

VOCAB = 100000
HIDDEN = 128
BATCH = 4096
SEQ = 200

def setup_inputs(seed: int = 0) -> dict:
    key = jax.random.key(seed)
    k_idx, k_tab = jax.random.split(key)
    input_ids = jax.random.randint(k_idx, (BATCH, SEQ), 0, VOCAB, dtype=jnp.int64 if jax.config.jax_enable_x64 else jnp.int32)
    embed_tokens_weight = jax.random.normal(k_tab, (VOCAB, HIDDEN), dtype=jnp.float32)
    return {"input_ids": input_ids, "embed_tokens_weight": embed_tokens_weight}

def reference(input_ids, embed_tokens_weight):
    # nn.Embedding forward: gather rows of the table by token id
    return jnp.take(embed_tokens_weight, input_ids, axis=0)

if __name__ == "__main__":
    import jax
    _d = setup_inputs()
    print(jax.jit(kernel)(*tuple(_d.values())))

</pallas_src>

<mosaic_0001>
#map = affine_map<(d0, d1) -> (0, 0, 0)>
#map1 = affine_map<(d0, d1) -> (0, 0)>
module attributes {stable_mosaic.version = 14 : i64} {
  func.func @emb(%arg0: i32, %arg1: i32, %arg2: memref<32x200x128xi32, #tpu.memory_space<hbm>>, %arg3: memref<100000x128xf32, #tpu.memory_space<hbm>>, %arg4: memref<819200x128xf32, #tpu.memory_space<hbm>>, %arg5: memref<200x128xi32, #tpu.memory_space<vmem>>, %arg6: memref<4x128x128xf32, #tpu.memory_space<vmem>>, %arg7: memref<!tpu.dma_semaphore, #tpu.memory_space<semaphore_mem>>, %arg8: memref<!tpu.dma_semaphore, #tpu.memory_space<semaphore_mem>>, %arg9: memref<!tpu.dma_semaphore, #tpu.memory_space<semaphore_mem>>, %arg10: memref<!tpu.dma_semaphore, #tpu.memory_space<semaphore_mem>>, %arg11: memref<!tpu.dma_semaphore, #tpu.memory_space<semaphore_mem>>, %arg12: memref<!tpu.dma_semaphore, #tpu.memory_space<semaphore_mem>>, %arg13: memref<!tpu.dma_semaphore, #tpu.memory_space<semaphore_mem>>, %arg14: memref<!tpu.dma_semaphore, #tpu.memory_space<semaphore_mem>>) attributes {dimension_semantics = [#tpu.dimension_semantics<core_parallel>, #tpu.dimension_semantics<subcore_parallel>], iteration_bounds = array<i64: 2, 16>, scalar_prefetch = 0 : i64, scratch_operands = 10 : i64, tpu.core_type = #tpu.core_type<sc_vector_subcore>, window_params = [{transform_indices = #map}, {transform_indices = #map1}, {transform_indices = #map1}]} {
    %mul3A = arith.constant 2 : i32
    %mul3A_0 = arith.muli %arg1, %mul3A : i32
    %add3A = arith.addi %mul3A_0, %arg0 : i32
    %mul3A_1 = arith.constant 25600 : i32
    %mul3A_2 = arith.muli %add3A, %mul3A_1 : i32
    "tpu.region"() ({
      %run_scoped3A = tpu.sem_alloc : memref<!tpu.dma_semaphore, #tpu.memory_space<semaphore_mem>>
      %dma_start3A_438 = arith.constant 0 : i32
      %dma_start3A_439 = arith.constant 0 : i32
      %dma_start3A_440 = tpu.memref_slice %arg2[%add3A, %dma_start3A_438, %dma_start3A_439] : memref<32x200x128xi32, #tpu.memory_space<hbm>> -> memref<1x200x128xi32, #tpu.memory_space<hbm>>
      %dma_start3A_441 = tpu.memref_squeeze %dma_start3A_440 : memref<1x200x128xi32, #tpu.memory_space<hbm>> -> memref<200x128xi32, #tpu.memory_space<hbm>>
      %dma_start3A_442 = arith.constant 0 : i32
      %dma_start3A_443 = arith.constant 0 : i32
      %dma_start3A_444 = tpu.memref_slice %arg2[%add3A, %dma_start3A_442, %dma_start3A_443] : memref<32x200x128xi32, #tpu.memory_space<hbm>> -> memref<1x200x128xi32, #tpu.memory_space<hbm>>
      %dma_start3A_445 = tpu.memref_squeeze %dma_start3A_444 : memref<1x200x128xi32, #tpu.memory_space<hbm>> -> memref<200x128xi32, #tpu.memory_space<hbm>>
      tpu.enqueue_dma source(%dma_start3A_445 : memref<200x128xi32, #tpu.memory_space<hbm>>) target(%arg5 : memref<200x128xi32, #tpu.memory_space<vmem>>) target_semaphore(%run_scoped3A : memref<!tpu.dma_semaphore, #tpu.memory_space<semaphore_mem>>)
      %dma_wait3A_446 = arith.constant 0 : i32
      %dma_wait3A_447 = arith.constant 0 : i32
      %dma_wait3A_448 = tpu.memref_slice %arg2[%add3A, %dma_wait3A_446, %dma_wait3A_447] : memref<32x200x128xi32, #tpu.memory_space<hbm>> -> memref<1x200x128xi32, #tpu.memory_space<hbm>>
      %dma_wait3A_449 = tpu.memref_squeeze %dma_wait3A_448 : memref<1x200x128xi32, #tpu.memory_space<hbm>> -> memref<200x128xi32, #tpu.memory_space<hbm>>
      %dma_wait3A_450 = arith.constant 0 : i32
      %dma_wait3A_451 = arith.constant 0 : i32
      %dma_wait3A_452 = tpu.memref_slice %arg2[%add3A, %dma_wait3A_450, %dma_wait3A_451] : memref<32x200x128xi32, #tpu.memory_space<hbm>> -> memref<1x200x128xi32, #tpu.memory_space<hbm>>
      %dma_wait3A_453 = tpu.memref_squeeze %dma_wait3A_452 : memref<1x200x128xi32, #tpu.memory_space<hbm>> -> memref<200x128xi32, #tpu.memory_space<hbm>>
      tpu.wait_dma2 semaphore(%run_scoped3A : memref<!tpu.dma_semaphore, #tpu.memory_space<semaphore_mem>>) src(%dma_wait3A_453 : memref<200x128xi32, #tpu.memory_space<hbm>>) dst(%arg5 : memref<200x128xi32, #tpu.memory_space<vmem>>)
      tpu.yield
    }) : () -> ()
    %dma_start3A = arith.constant 0 : i32
    %dma_start3A_3 = arith.constant 0 : i32
    %dma_start3A_4 = arith.constant 0 : i32
    %dma_start3A_5 = arith.constant 0 : i32
    %dma_start3A_6 = tpu.memref_slice %arg6[%dma_start3A_3, %dma_start3A_4, %dma_start3A_5] : memref<4x128x128xf32, #tpu.memory_space<vmem>> -> memref<1x128x128xf32, #tpu.memory_space<vmem>>
    %dma_start3A_7 = tpu.memref_squeeze %dma_start3A_6 : memref<1x128x128xf32, #tpu.memory_space<vmem>> -> memref<128x128xf32, #tpu.memory_space<vmem>>
    %dma_start3A_8 = arith.constant 0 : i32
    %dma_start3A_9 = tpu.memref_slice %arg5[%dma_start3A, %dma_start3A_8] : memref<200x128xi32, #tpu.memory_space<vmem>> -> memref<1x128xi32, #tpu.memory_space<vmem>>
    %dma_start3A_10 = tpu.memref_squeeze %dma_start3A_9 : memref<1x128xi32, #tpu.memory_space<vmem>> -> memref<128xi32, #tpu.memory_space<vmem>>
    %dma_start3A_11 = arith.constant 0 : i32
    %dma_start3A_12 = arith.constant 0 : i32
    %dma_start3A_13 = tpu.memref_slice %arg3[%dma_start3A_11, %dma_start3A_12] : memref<100000x128xf32, #tpu.memory_space<hbm>> -> memref<100000x128xf32, #tpu.memory_space<hbm>>
    tpu.enqueue_indirect_dma source(%dma_start3A_13 : memref<100000x128xf32, #tpu.memory_space<hbm>>) target(%dma_start3A_7 : memref<128x128xf32, #tpu.memory_space<vmem>>) offsets(%dma_start3A_10 : memref<128xi32, #tpu.memory_space<vmem>>) semaphore(%arg7 : memref<!tpu.dma_semaphore, #tpu.memory_space<semaphore_mem>>)
    %dma_start3A_14 = arith.constant 1 : i32
    %dma_start3A_15 = arith.constant 1 : i32
    %dma_start3A_16 = arith.constant 0 : i32
    %dma_start3A_17 = arith.constant 0 : i32
    %dma_start3A_18 = tpu.memref_slice %arg6[%dma_start3A_15, %dma_start3A_16, %dma_start3A_17] : memref<4x128x128xf32, #tpu.memory_space<vmem>> -> memref<1x128x128xf32, #tpu.memory_space<vmem>>
    %dma_start3A_19 = tpu.memref_squeeze %dma_start3A_18 : memref<1x128x128xf32, #tpu.memory_space<vmem>> -> memref<128x128xf32, #tpu.memory_space<vmem>>
    %dma_start3A_20 = arith.constant 0 : i32
    %dma_start3A_21 = tpu.memref_slice %arg5[%dma_start3A_14, %dma_start3A_20] : memref<200x128xi32, #tpu.memory_space<vmem>> -> memref<1x128xi32, #tpu.memory_space<vmem>>
    %dma_start3A_22 = tpu.memref_squeeze %dma_start3A_21 : memref<1x128xi32, #tpu.memory_space<vmem>> -> memref<128xi32, #tpu.memory_space<vmem>>
    %dma_start3A_23 = arith.constant 0 : i32
    %dma_start3A_24 = arith.constant 0 : i32
    %dma_start3A_25 = tpu.memref_slice %arg3[%dma_start3A_23, %dma_start3A_24] : memref<100000x128xf32, #tpu.memory_space<hbm>> -> memref<100000x128xf32, #tpu.memory_space<hbm>>
    tpu.enqueue_indirect_dma source(%dma_start3A_25 : memref<100000x128xf32, #tpu.memory_space<hbm>>) target(%dma_start3A_19 : memref<128x128xf32, #tpu.memory_space<vmem>>) offsets(%dma_start3A_22 : memref<128xi32, #tpu.memory_space<vmem>>) semaphore(%arg8 : memref<!tpu.dma_semaphore, #tpu.memory_space<semaphore_mem>>)
    %dma_start3A_26 = arith.constant 2 : i32
    %dma_start3A_27 = arith.constant 2 : i32
    %dma_start3A_28 = arith.constant 0 : i32
    %dma_start3A_29 = arith.constant 0 : i32
    %dma_start3A_30 = tpu.memref_slice %arg6[%dma_start3A_27, %dma_start3A_28, %dma_start3A_29] : memref<4x128x128xf32, #tpu.memory_space<vmem>> -> memref<1x128x128xf32, #tpu.memory_space<vmem>>
    %dma_start3A_31 = tpu.memref_squeeze %dma_start3A_30 : memref<1x128x128xf32, #tpu.memory_space<vmem>> -> memref<128x128xf32, #tpu.memory_space<vmem>>
    %dma_start3A_32 = arith.constant 0 : i32
    %dma_start3A_33 = tpu.memref_slice %arg5[%dma_start3A_26, %dma_start3A_32] : memref<200x128xi32, #tpu.memory_space<vmem>> -> memref<1x128xi32, #tpu.memory_space<vmem>>
    %dma_start3A_34 = tpu.memref_squeeze %dma_start3A_33 : memref<1x128xi32, #tpu.memory_space<vmem>> -> memref<128xi32, #tpu.memory_space<vmem>>
    %dma_start3A_35 = arith.constant 0 : i32
    %dma_start3A_36 = arith.constant 0 : i32
    %dma_start3A_37 = tpu.memref_slice %arg3[%dma_start3A_35, %dma_start3A_36] : memref<100000x128xf32, #tpu.memory_space<hbm>> -> memref<100000x128xf32, #tpu.memory_space<hbm>>
    tpu.enqueue_indirect_dma source(%dma_start3A_37 : memref<100000x128xf32, #tpu.memory_space<hbm>>) target(%dma_start3A_31 : memref<128x128xf32, #tpu.memory_space<vmem>>) offsets(%dma_start3A_34 : memref<128xi32, #tpu.memory_space<vmem>>) semaphore(%arg9 : memref<!tpu.dma_semaphore, #tpu.memory_space<semaphore_mem>>)
    %dma_wait3A = arith.constant 0 : i32
    %dma_wait3A_38 = arith.constant 0 : i32
    %dma_wait3A_39 = arith.constant 0 : i32
    %dma_wait3A_40 = arith.constant 0 : i32
    %dma_wait3A_41 = tpu.memref_slice %arg6[%dma_wait3A_38, %dma_wait3A_39, %dma_wait3A_40] : memref<4x128x128xf32, #tpu.memory_space<vmem>> -> memref<1x128x128xf32, #tpu.memory_space<vmem>>
    %dma_wait3A_42 = tpu.memref_squeeze %dma_wait3A_41 : memref<1x128x128xf32, #tpu.memory_space<vmem>> -> memref<128x128xf32, #tpu.memory_space<vmem>>
    %dma_wait3A_43 = arith.constant 0 : i32
    %dma_wait3A_44 = tpu.memref_slice %arg5[%dma_wait3A, %dma_wait3A_43] : memref<200x128xi32, #tpu.memory_space<vmem>> -> memref<1x128xi32, #tpu.memory_space<vmem>>
    %dma_wait3A_45 = tpu.memref_squeeze %dma_wait3A_44 : memref<1x128xi32, #tpu.memory_space<vmem>> -> memref<128xi32, #tpu.memory_space<vmem>>
    %dma_wait3A_46 = arith.constant 0 : i32
    %dma_wait3A_47 = arith.constant 0 : i32
    %dma_wait3A_48 = tpu.memref_slice %arg3[%dma_wait3A_46, %dma_wait3A_47] : memref<100000x128xf32, #tpu.memory_space<hbm>> -> memref<100000x128xf32, #tpu.memory_space<hbm>>
    tpu.wait_indirect_dma semaphore(%arg7 : memref<!tpu.dma_semaphore, #tpu.memory_space<semaphore_mem>>) src(%dma_wait3A_48 : memref<100000x128xf32, #tpu.memory_space<hbm>>) dst(%dma_wait3A_42 : memref<128x128xf32, #tpu.memory_space<vmem>>)
    %add3A_49 = arith.constant 0 : i32
    %add3A_50 = arith.addi %mul3A_2, %add3A_49 : i32
    %dma_start3A_51 = arith.constant 0 : i32
    %dma_start3A_52 = arith.constant 0 : i32
    %dma_start3A_53 = arith.constant 0 : i32
    %dma_start3A_54 = tpu.memref_slice %arg6[%dma_start3A_51, %dma_start3A_52, %dma_start3A_53] : memref<4x128x128xf32, #tpu.memory_space<vmem>> -> memref<1x128x128xf32, #tpu.memory_space<vmem>>
    %dma_start3A_55 = tpu.memref_squeeze %dma_start3A_54 : memref<1x128x128xf32, #tpu.memory_space<vmem>> -> memref<128x128xf32, #tpu.memory_space<vmem>>
    %dma_start3A_56 = arith.constant 0 : i32
    %dma_start3A_57 = tpu.memref_slice %arg4[%add3A_50, %dma_start3A_56] : memref<819200x128xf32, #tpu.memory_space<hbm>> -> memref<128x128xf32, #tpu.memory_space<hbm>>
    %dma_start3A_58 = arith.constant 0 : i32
    %dma_start3A_59 = tpu.memref_slice %arg4[%add3A_50, %dma_start3A_58] : memref<819200x128xf32, #tpu.memory_space<hbm>> -> memref<128x128xf32, #tpu.memory_space<hbm>>
    %dma_start3A_60 = arith.constant 0 : i32
    %dma_start3A_61 = arith.constant 0 : i32
    %dma_start3A_62 = tpu.memref_slice %arg6[%dma_start3A_51, %dma_start3A_60, %dma_start3A_61] : memref<4x128x128xf32, #tpu.memory_space<vmem>> -> memref<1x128x128xf32, #tpu.memory_space<vmem>>
    %dma_start3A_63 = tpu.memref_squeeze %dma_start3A_62 : memref<1x128x128xf32, #tpu.memory_space<vmem>> -> memref<128x128xf32, #tpu.memory_space<vmem>>
    tpu.enqueue_dma source(%dma_start3A_63 : memref<128x128xf32, #tpu.memory_space<vmem>>) target(%dma_start3A_59 : memref<128x128xf32, #tpu.memory_space<hbm>>) target_semaphore(%arg11 : memref<!tpu.dma_semaphore, #tpu.memory_space<semaphore_mem>>)
    %dma_start3A_64 = arith.constant 3 : i32
    %dma_start3A_65 = arith.constant 3 : i32
    %dma_start3A_66 = arith.constant 0 : i32
    %dma_start3A_67 = arith.constant 0 : i32
    %dma_start3A_68 = tpu.memref_slice %arg6[%dma_start3A_65, %dma_start3A_66, %dma_start3A_67] : memref<4x128x128xf32, #tpu.memory_space<vmem>> -> memref<1x128x128xf32, #tpu.memory_space<vmem>>
    %dma_start3A_69 = tpu.memref_squeeze %dma_start3A_68 : memref<1x128x128xf32, #tpu.memory_space<vmem>> -> memref<128x128xf32, #tpu.memory_space<vmem>>
    %dma_start3A_70 = arith.constant 0 : i32
    %dma_start3A_71 = tpu.memref_slice %arg5[%dma_start3A_64, %dma_start3A_70] : memref<200x128xi32, #tpu.memory_space<vmem>> -> memref<1x128xi32, #tpu.memory_space<vmem>>
    %dma_start3A_72 = tpu.memref_squeeze %dma_start3A_71 : memref<1x128xi32, #tpu.memory_space<vmem>> -> memref<128xi32, #tpu.memory_space<vmem>>
    %dma_start3A_73 = arith.constant 0 : i32
    %dma_start3A_74 = arith.constant 0 : i32
    %dma_start3A_75 = tpu.memref_slice %arg3[%dma_start3A_73, %dma_start3A_74] : memref<100000x128xf32, #tpu.memory_space<hbm>> -> memref<100000x128xf32, #tpu.memory_space<hbm>>
    tpu.enqueue_indirect_dma source(%dma_start3A_75 : memref<100000x128xf32, #tpu.memory_space<hbm>>) target(%dma_start3A_69 : memref<128x128xf32, #tpu.memory_space<vmem>>) offsets(%dma_start3A_72 : memref<128xi32, #tpu.memory_space<vmem>>) semaphore(%arg10 : memref<!tpu.dma_semaphore, #tpu.memory_space<semaphore_mem>>)
    %dma_wait3A_76 = arith.constant 1 : i32
    %dma_wait3A_77 = arith.constant 1 : i32
    %dma_wait3A_78 = arith.constant 0 : i32
    %dma_wait3A_79 = arith.constant 0 : i32
    %dma_wait3A_80 = tpu.memref_slice %arg6[%dma_wait3A_77, %dma_wait3A_78, %dma_wait3A_79] : memref<4x128x128xf32, #tpu.memory_space<vmem>> -> memref<1x128x128xf32, #tpu.memory_space<vmem>>
    %dma_wait3A_81 = tpu.memref_squeeze %dma_wait3A_80 : memref<1x128x128xf32, #tpu.memory_space<vmem>> -> memref<128x128xf32, #tpu.memory_space<vmem>>
    %dma_wait3A_82 = arith.constant 0 : i32
    %dma_wait3A_83 = tpu.memref_slice %arg5[%dma_wait3A_76, %dma_wait3A_82] : memref<200x128xi32, #tpu.memory_space<vmem>> -> memref<1x128xi32, #tpu.memory_space<vmem>>
    %dma_wait3A_84 = tpu.memref_squeeze %dma_wait3A_83 : memref<1x128xi32, #tpu.memory_space<vmem>> -> memref<128xi32, #tpu.memory_space<vmem>>
    %dma_wait3A_85 = arith.constant 0 : i32
    %dma_wait3A_86 = arith.constant 0 : i32
    %dma_wait3A_87 = tpu.memref_slice %arg3[%dma_wait3A_85, %dma_wait3A_86] : memref<100000x128xf32, #tpu.memory_space<hbm>> -> memref<100000x128xf32, #tpu.memory_space<hbm>>
    tpu.wait_indirect_dma semaphore(%arg8 : memref<!tpu.dma_semaphore, #tpu.memory_space<semaphore_mem>>) src(%dma_wait3A_87 : memref<100000x128xf32, #tpu.memory_space<hbm>>) dst(%dma_wait3A_81 : memref<128x128xf32, #tpu.memory_space<vmem>>)
    %add3A_88 = arith.constant 128 : i32
    %add3A_89 = arith.addi %mul3A_2, %add3A_88 : i32
    %dma_start3A_90 = arith.constant 1 : i32
    %dma_start3A_91 = arith.constant 0 : i32
    %dma_start3A_92 = arith.constant 0 : i32
    %dma_start3A_93 = tpu.memref_slice %arg6[%dma_start3A_90, %dma_start3A_91, %dma_start3A_92] : memref<4x128x128xf32, #tpu.memory_space<vmem>> -> memref<1x128x128xf32, #tpu.memory_space<vmem>>
    %dma_start3A_94 = tpu.memref_squeeze %dma_start3A_93 : memref<1x128x128xf32, #tpu.memory_space<vmem>> -> memref<128x128xf32, #tpu.memory_space<vmem>>
    %dma_start3A_95 = arith.constant 0 : i32
    %dma_start3A_96 = tpu.memref_slice %arg4[%add3A_89, %dma_start3A_95] : memref<819200x128xf32, #tpu.memory_space<hbm>> -> memref<128x128xf32, #tpu.memory_space<hbm>>
    %dma_start3A_97 = arith.constant 0 : i32
    %dma_start3A_98 = tpu.memref_slice %arg4[%add3A_89, %dma_start3A_97] : memref<819200x128xf32, #tpu.memory_space<hbm>> -> memref<128x128xf32, #tpu.memory_space<hbm>>
    %dma_start3A_99 = arith.constant 0 : i32
    %dma_start3A_100 = arith.constant 0 : i32
    %dma_start3A_101 = tpu.memref_slice %arg6[%dma_start3A_90, %dma_start3A_99, %dma_start3A_100] : memref<4x128x128xf32, #tpu.memory_space<vmem>> -> memref<1x128x128xf32, #tpu.memory_space<vmem>>
    %dma_start3A_102 = tpu.memref_squeeze %dma_start3A_101 : memref<1x128x128xf32, #tpu.memory_space<vmem>> -> memref<128x128xf32, #tpu.memory_space<vmem>>
    tpu.enqueue_dma source(%dma_start3A_102 : memref<128x128xf32, #tpu.memory_space<vmem>>) target(%dma_start3A_98 : memref<128x128xf32, #tpu.memory_space<hbm>>) target_semaphore(%arg12 : memref<!tpu.dma_semaphore, #tpu.memory_space<semaphore_mem>>)
    %add3A_103 = arith.constant 0 : i32
    %add3A_104 = arith.addi %mul3A_2, %add3A_103 : i32
    %dma_wait3A_105 = arith.constant 0 : i32
    %dma_wait3A_106 = arith.constant 0 : i32
    %dma_wait3A_107 = arith.constant 0 : i32
    %dma_wait3A_108 = tpu.memref_slice %arg6[%dma_wait3A_105, %dma_wait3A_106, %dma_wait3A_107] : memref<4x128x128xf32, #tpu.memory_space<vmem>> -> memref<1x128x128xf32, #tpu.memory_space<vmem>>
    %dma_wait3A_109 = tpu.memref_squeeze %dma_wait3A_108 : memref<1x128x128xf32, #tpu.memory_space<vmem>> -> memref<128x128xf32, #tpu.memory_space<vmem>>
    %dma_wait3A_110 = arith.constant 0 : i32
    %dma_wait3A_111 = tpu.memref_slice %arg4[%add3A_104, %dma_wait3A_110] : memref<819200x128xf32, #tpu.memory_space<hbm>> -> memref<128x128xf32, #tpu.memory_space<hbm>>
    %dma_wait3A_112 = arith.constant 0 : i32
    %dma_wait3A_113 = tpu.memref_slice %arg4[%add3A_104, %dma_wait3A_112] : memref<819200x128xf32, #tpu.memory_space<hbm>> -> memref<128x128xf32, #tpu.memory_space<hbm>>
    %dma_wait3A_114 = arith.constant 0 : i32
    %dma_wait3A_115 = arith.constant 0 : i32
    %dma_wait3A_116 = tpu.memref_slice %arg6[%dma_wait3A_105, %dma_wait3A_114, %dma_wait3A_115] : memref<4x128x128xf32, #tpu.memory_space<vmem>> -> memref<1x128x128xf32, #tpu.memory_space<vmem>>
    %dma_wait3A_117 = tpu.memref_squeeze %dma_wait3A_116 : memref<1x128x128xf32, #tpu.memory_space<vmem>> -> memref<128x128xf32, #tpu.memory_space<vmem>>
    tpu.wait_dma2 semaphore(%arg11 : memref<!tpu.dma_semaphore, #tpu.memory_space<semaphore_mem>>) src(%dma_wait3A_117 : memref<128x128xf32, #tpu.memory_space<vmem>>) dst(%dma_wait3A_113 : memref<128x128xf32, #tpu.memory_space<hbm>>)
    %dma_start3A_118 = arith.constant 4 : i32
    %dma_start3A_119 = arith.constant 0 : i32
    %dma_start3A_120 = arith.constant 0 : i32
    %dma_start3A_121 = arith.constant 0 : i32
    %dma_start3A_122 = tpu.memref_slice %arg6[%dma_start3A_119, %dma_start3A_120, %dma_start3A_121] : memref<4x128x128xf32, #tpu.memory_space<vmem>> -> memref<1x128x128xf32, #tpu.memory_space<vmem>>
    %dma_start3A_123 = tpu.memref_squeeze %dma_start3A_122 : memref<1x128x128xf32, #tpu.memory_space<vmem>> -> memref<128x128xf32, #tpu.memory_space<vmem>>
    %dma_start3A_124 = arith.constant 0 : i32
    %dma_start3A_125 = tpu.memref_slice %arg5[%dma_start3A_118, %dma_start3A_124] : memref<200x128xi32, #tpu.memory_space<vmem>> -> memref<1x128xi32, #tpu.memory_space<vmem>>
    %dma_start3A_126 = tpu.memref_squeeze %dma_start3A_125 : memref<1x128xi32, #tpu.memory_space<vmem>> -> memref<128xi32, #tpu.memory_space<vmem>>
    %dma_start3A_127 = arith.constant 0 : i32
    %dma_start3A_128 = arith.constant 0 : i32
    %dma_start3A_129 = tpu.memref_slice %arg3[%dma_start3A_127, %dma_start3A_128] : memref<100000x128xf32, #tpu.memory_space<hbm>> -> memref<100000x128xf32, #tpu.memory_space<hbm>>
    tpu.enqueue_indirect_dma source(%dma_start3A_129 : memref<100000x128xf32, #tpu.memory_space<hbm>>) target(%dma_start3A_123 : memref<128x128xf32, #tpu.memory_space<vmem>>) offsets(%dma_start3A_126 : memref<128xi32, #tpu.memory_space<vmem>>) semaphore(%arg7 : memref<!tpu.dma_semaphore, #tpu.memory_space<semaphore_mem>>)
    %dma_wait3A_130 = arith.constant 2 : i32
    %dma_wait3A_131 = arith.constant 2 : i32
    %dma_wait3A_132 = arith.constant 0 : i32
    %dma_wait3A_133 = arith.constant 0 : i32
    %dma_wait3A_134 = tpu.memref_slice %arg6[%dma_wait3A_131, %dma_wait3A_132, %dma_wait3A_133] : memref<4x128x128xf32, #tpu.memory_space<vmem>> -> memref<1x128x128xf32, #tpu.memory_space<vmem>>
    %dma_wait3A_135 = tpu.memref_squeeze %dma_wait3A_134 : memref<1x128x128xf32, #tpu.memory_space<vmem>> -> memref<128x128xf32, #tpu.memory_space<vmem>>
    %dma_wait3A_136 = arith.constant 0 : i32
    %dma_wait3A_137 = tpu.memref_slice %arg5[%dma_wait3A_130, %dma_wait3A_136] : memref<200x128xi32, #tpu.memory_space<vmem>> -> memref<1x128xi32, #tpu.memory_space<vmem>>
    %dma_wait3A_138 = tpu.memref_squeeze %dma_wait3A_137 : memref<1x128xi32, #tpu.memory_space<vmem>> -> memref<128xi32, #tpu.memory_space<vmem>>
    %dma_wait3A_139 = arith.constant 0 : i32
    %dma_wait3A_140 = arith.constant 0 : i32
    %dma_wait3A_141 = tpu.memref_slice %arg3[%dma_wait3A_139, %dma_wait3A_140] : memref<100000x128xf32, #tpu.memory_space<hbm>> -> memref<100000x128xf32, #tpu.memory_space<hbm>>
    tpu.wait_indirect_dma semaphore(%arg9 : memref<!tpu.dma_semaphore, #tpu.memory_space<semaphore_mem>>) src(%dma_wait3A_141 : memref<100000x128xf32, #tpu.memory_space<hbm>>) dst(%dma_wait3A_135 : memref<128x128xf32, #tpu.memory_space<vmem>>)
    %add3A_142 = arith.constant 256 : i32
    %add3A_143 = arith.addi %mul3A_2, %add3A_142 : i32
    %dma_start3A_144 = arith.constant 2 : i32
    %dma_start3A_145 = arith.constant 0 : i32
    %dma_start3A_146 = arith.constant 0 : i32
    %dma_start3A_147 = tpu.memref_slice %arg6[%dma_start3A_144, %dma_start3A_145, %dma_start3A_146] : memref<4x128x128xf32, #tpu.memory_space<vmem>> -> memref<1x128x128xf32, #tpu.memory_space<vmem>>
    %dma_start3A_148 = tpu.memref_squeeze %dma_start3A_147 : memref<1x128x128xf32, #tpu.memory_space<vmem>> -> memref<128x128xf32, #tpu.memory_space<vmem>>
    %dma_start3A_149 = arith.constant 0 : i32
    %dma_start3A_150 = tpu.memref_slice %arg4[%add3A_143, %dma_start3A_149] : memref<819200x128xf32, #tpu.memory_space<hbm>> -> memref<128x128xf32, #tpu.memory_space<hbm>>
    %dma_start3A_151 = arith.constant 0 : i32
    %dma_start3A_152 = tpu.memref_slice %arg4[%add3A_143, %dma_start3A_151] : memref<819200x128xf32, #tpu.memory_space<hbm>> -> memref<128x128xf32, #tpu.memory_space<hbm>>
    %dma_start3A_153 = arith.constant 0 : i32
    %dma_start3A_154 = arith.constant 0 : i32
    %dma_start3A_155 = tpu.memref_slice %arg6[%dma_start3A_144, %dma_start3A_153, %dma_start3A_154] : memref<4x128x128xf32, #tpu.memory_space<vmem>> -> memref<1x128x128xf32, #tpu.memory_space<vmem>>
    %dma_start3A_156 = tpu.memref_squeeze %dma_start3A_155 : memref<1x128x128xf32, #tpu.memory_space<vmem>> -> memref<128x128xf32, #tpu.memory_space<vmem>>
    tpu.enqueue_dma source(%dma_start3A_156 : memref<128x128xf32, #tpu.memory_space<vmem>>) target(%dma_start3A_152 : memref<128x128xf32, #tpu.memory_space<hbm>>) target_semaphore(%arg13 : memref<!tpu.dma_semaphore, #tpu.memory_space<semaphore_mem>>)
    %add3A_157 = arith.constant 128 : i32
    %add3A_158 = arith.addi %mul3A_2, %add3A_157 : i32
    %dma_wait3A_159 = arith.constant 1 : i32
    %dma_wait3A_160 = arith.constant 0 : i32
    %dma_wait3A_161 = arith.constant 0 : i32
    %dma_wait3A_162 = tpu.memref_slice %arg6[%dma_wait3A_159, %dma_wait3A_160, %dma_wait3A_161] : memref<4x128x128xf32, #tpu.memory_space<vmem>> -> memref<1x128x128xf32, #tpu.memory_space<vmem>>
    %dma_wait3A_163 = tpu.memref_squeeze %dma_wait3A_162 : memref<1x128x128xf32, #tpu.memory_space<vmem>> -> memref<128x128xf32, #tpu.memory_space<vmem>>
    %dma_wait3A_164 = arith.constant 0 : i32
    %dma_wait3A_165 = tpu.memref_slice %arg4[%add3A_158, %dma_wait3A_164] : memref<819200x128xf32, #tpu.memory_space<hbm>> -> memref<128x128xf32, #tpu.memory_space<hbm>>
    %dma_wait3A_166 = arith.constant 0 : i32
    %dma_wait3A_167 = tpu.memref_slice %arg4[%add3A_158, %dma_wait3A_166] : memref<819200x128xf32, #tpu.memory_space<hbm>> -> memref<128x128xf32, #tpu.memory_space<hbm>>
    %dma_wait3A_168 = arith.constant 0 : i32
    %dma_wait3A_169 = arith.constant 0 : i32
    %dma_wait3A_170 = tpu.memref_slice %arg6[%dma_wait3A_159, %dma_wait3A_168, %dma_wait3A_169] : memref<4x128x128xf32, #tpu.memory_space<vmem>> -> memref<1x128x128xf32, #tpu.memory_space<vmem>>
    %dma_wait3A_171 = tpu.memref_squeeze %dma_wait3A_170 : memref<1x128x128xf32, #tpu.memory_space<vmem>> -> memref<128x128xf32, #tpu.memory_space<vmem>>
    tpu.wait_dma2 semaphore(%arg12 : memref<!tpu.dma_semaphore, #tpu.memory_space<semaphore_mem>>) src(%dma_wait3A_171 : memref<128x128xf32, #tpu.memory_space<vmem>>) dst(%dma_wait3A_167 : memref<128x128xf32, #tpu.memory_space<hbm>>)
    %dma_start3A_172 = arith.constant 5 : i32
    %dma_start3A_173 = arith.constant 1 : i32
    %dma_start3A_174 = arith.constant 0 : i32
    %dma_start3A_175 = arith.constant 0 : i32
    %dma_start3A_176 = tpu.memref_slice %arg6[%dma_start3A_173, %dma_start3A_174, %dma_start3A_175] : memref<4x128x128xf32, #tpu.memory_space<vmem>> -> memref<1x128x128xf32, #tpu.memory_space<vmem>>
    %dma_start3A_177 = tpu.memref_squeeze %dma_start3A_176 : memref<1x128x128xf32, #tpu.memory_space<vmem>> -> memref<128x128xf32, #tpu.memory_space<vmem>>
    %dma_start3A_178 = arith.constant 0 : i32
    %dma_start3A_179 = tpu.memref_slice %arg5[%dma_start3A_172, %dma_start3A_178] : memref<200x128xi32, #tpu.memory_space<vmem>> -> memref<1x128xi32, #tpu.memory_space<vmem>>
    %dma_start3A_180 = tpu.memref_squeeze %dma_start3A_179 : memref<1x128xi32, #tpu.memory_space<vmem>> -> memref<128xi32, #tpu.memory_space<vmem>>
    %dma_start3A_181 = arith.constant 0 : i32
    %dma_start3A_182 = arith.constant 0 : i32
    %dma_start3A_183 = tpu.memref_slice %arg3[%dma_start3A_181, %dma_start3A_182] : memref<100000x128xf32, #tpu.memory_space<hbm>> -> memref<100000x128xf32, #tpu.memory_space<hbm>>
    tpu.enqueue_indirect_dma source(%dma_start3A_183 : memref<100000x128xf32, #tpu.memory_space<hbm>>) target(%dma_start3A_177 : memref<128x128xf32, #tpu.memory_space<vmem>>) offsets(%dma_start3A_180 : memref<128xi32, #tpu.memory_space<vmem>>) semaphore(%arg8 : memref<!tpu.dma_semaphore, #tpu.memory_space<semaphore_mem>>)
    %dma_wait3A_184 = arith.constant 3 : i32
    %dma_wait3A_185 = arith.constant 3 : i32
    %dma_wait3A_186 = arith.constant 0 : i32
    %dma_wait3A_187 = arith.constant 0 : i32
    %dma_wait3A_188 = tpu.memref_slice %arg6[%dma_wait3A_185, %dma_wait3A_186, %dma_wait3A_187] : memref<4x128x128xf32, #tpu.memory_space<vmem>> -> memref<1x128x128xf32, #tpu.memory_space<vmem>>
    %dma_wait3A_189 = tpu.memref_squeeze %dma_wait3A_188 : memref<1x128x128xf32, #tpu.memory_space<vmem>> -> memref<128x128xf32, #tpu.memory_space<vmem>>
    %dma_wait3A_190 = arith.constant 0 : i32
    %dma_wait3A_191 = tpu.memref_slice %arg5[%dma_wait3A_184, %dma_wait3A_190] : memref<200x128xi32, #tpu.memory_space<vmem>> -> memref<1x128xi32, #tpu.memory_space<vmem>>
    %dma_wait3A_192 = tpu.memref_squeeze %dma_wait3A_191 : memref<1x128xi32, #tpu.memory_space<vmem>> -> memref<128xi32, #tpu.memory_space<vmem>>
    %dma_wait3A_193 = arith.constant 0 : i32
    %dma_wait3A_194 = arith.constant 0 : i32
    %dma_wait3A_195 = tpu.memref_slice %arg3[%dma_wait3A_193, %dma_wait3A_194] : memref<100000x128xf32, #tpu.memory_space<hbm>> -> memref<100000x128xf32, #tpu.memory_space<hbm>>
    tpu.wait_indirect_dma semaphore(%arg10 : memref<!tpu.dma_semaphore, #tpu.memory_space<semaphore_mem>>) src(%dma_wait3A_195 : memref<100000x128xf32, #tpu.memory_space<hbm>>) dst(%dma_wait3A_189 : memref<128x128xf32, #tpu.memory_space<vmem>>)
    %add3A_196 = arith.constant 384 : i32
    %add3A_197 = arith.addi %mul3A_2, %add3A_196 : i32
    %dma_start3A_198 = arith.constant 3 : i32
    %dma_start3A_199 = arith.constant 0 : i32
    %dma_start3A_200 = arith.constant 0 : i32
    %dma_start3A_201 = tpu.memref_slice %arg6[%dma_start3A_198, %dma_start3A_199, %dma_start3A_200] : memref<4x128x128xf32, #tpu.memory_space<vmem>> -> memref<1x128x128xf32, #tpu.memory_space<vmem>>
    %dma_start3A_202 = tpu.memref_squeeze %dma_start3A_201 : memref<1x128x128xf32, #tpu.memory_space<vmem>> -> memref<128x128xf32, #tpu.memory_space<vmem>>
    %dma_start3A_203 = arith.constant 0 : i32
    %dma_start3A_204 = tpu.memref_slice %arg4[%add3A_197, %dma_start3A_203] : memref<819200x128xf32, #tpu.memory_space<hbm>> -> memref<128x128xf32, #tpu.memory_space<hbm>>
    %dma_start3A_205 = arith.constant 0 : i32
    %dma_start3A_206 = tpu.memref_slice %arg4[%add3A_197, %dma_start3A_205] : memref<819200x128xf32, #tpu.memory_space<hbm>> -> memref<128x128xf32, #tpu.memory_space<hbm>>
    %dma_start3A_207 = arith.constant 0 : i32
    %dma_start3A_208 = arith.constant 0 : i32
    %dma_start3A_209 = tpu.memref_slice %arg6[%dma_start3A_198, %dma_start3A_207, %dma_start3A_208] : memref<4x128x128xf32, #tpu.memory_space<vmem>> -> memref<1x128x128xf32, #tpu.memory_space<vmem>>
    %dma_start3A_210 = tpu.memref_squeeze %dma_start3A_209 : memref<1x128x128xf32, #tpu.memory_space<vmem>> -> memref<128x128xf32, #tpu.memory_space<vmem>>
    tpu.enqueue_dma source(%dma_start3A_210 : memref<128x128xf32, #tpu.memory_space<vmem>>) target(%dma_start3A_206 : memref<128x128xf32, #tpu.memory_space<hbm>>) target_semaphore(%arg14 : memref<!tpu.dma_semaphore, #tpu.memory_space<semaphore_mem>>)
    %scan3A = arith.constant 0 : i32
    %scan3A_211 = arith.constant 1 : i32
    %scan3A_212 = arith.constant 48 : i32
    %scan3A_213 = arith.addi %scan3A_211, %scan3A_212 : i32
    %scan3A_214 = arith.constant 1 : i32
    scf.for %scan3A_438 = %scan3A_211 to %scan3A_213 step %scan3A_214  : i32 {
      %mul3A_439 = arith.constant 4 : i32
      %mul3A_440 = arith.muli %scan3A_438, %mul3A_439 : i32
      %add3A_441 = arith.constant 0 : i32
      %add3A_442 = arith.addi %mul3A_440, %add3A_441 : i32
      %sub3A = arith.constant 2 : i32
      %sub3A_443 = arith.subi %add3A_442, %sub3A : i32
      %mul3A_444 = arith.constant 128 : i32
      %mul3A_445 = arith.muli %sub3A_443, %mul3A_444 : i32
      %add3A_446 = arith.addi %mul3A_2, %mul3A_445 : i32
      %dma_wait3A_447 = arith.constant 2 : i32
      %dma_wait3A_448 = arith.constant 0 : i32
      %dma_wait3A_449 = arith.constant 0 : i32
      %dma_wait3A_450 = tpu.memref_slice %arg6[%dma_wait3A_447, %dma_wait3A_448, %dma_wait3A_449] : memref<4x128x128xf32, #tpu.memory_space<vmem>> -> memref<1x128x128xf32, #tpu.memory_space<vmem>>
      %dma_wait3A_451 = tpu.memref_squeeze %dma_wait3A_450 : memref<1x128x128xf32, #tpu.memory_space<vmem>> -> memref<128x128xf32, #tpu.memory_space<vmem>>
      %dma_wait3A_452 = arith.constant 0 : i32
      %dma_wait3A_453 = tpu.memref_slice %arg4[%add3A_446, %dma_wait3A_452] : memref<819200x128xf32, #tpu.memory_space<hbm>> -> memref<128x128xf32, #tpu.memory_space<hbm>>
      %dma_wait3A_454 = arith.constant 0 : i32
      %dma_wait3A_455 = tpu.memref_slice %arg4[%add3A_446, %dma_wait3A_454] : memref<819200x128xf32, #tpu.memory_space<hbm>> -> memref<128x128xf32, #tpu.memory_space<hbm>>
      %dma_wait3A_456 = arith.constant 0 : i32
      %dma_wait3A_457 = arith.constant 0 : i32
      %dma_wait3A_458 = tpu.memref_slice %arg6[%dma_wait3A_447, %dma_wait3A_456, %dma_wait3A_457] : memref<4x128x128xf32, #tpu.memory_space<vmem>> -> memref<1x128x128xf32, #tpu.memory_space<vmem>>
      %dma_wait3A_459 = tpu.memref_squeeze %dma_wait3A_458 : memref<1x128x128xf32, #tpu.memory_space<vmem>> -> memref<128x128xf32, #tpu.memory_space<vmem>>
      tpu.wait_dma2 semaphore(%arg13 : memref<!tpu.dma_semaphore, #tpu.memory_space<semaphore_mem>>) src(%dma_wait3A_459 : memref<128x128xf32, #tpu.memory_space<vmem>>) dst(%dma_wait3A_455 : memref<128x128xf32, #tpu.memory_space<hbm>>)
      %add3A_460 = arith.constant 2 : i32
      %add3A_461 = arith.addi %add3A_442, %add3A_460 : i32
      %dma_start3A_462 = arith.constant 2 : i32
      %dma_start3A_463 = arith.constant 0 : i32
      %dma_start3A_464 = arith.constant 0 : i32
      %dma_start3A_465 = tpu.memref_slice %arg6[%dma_start3A_462, %dma_start3A_463, %dma_start3A_464] : memref<4x128x128xf32, #tpu.memory_space<vmem>> -> memref<1x128x128xf32, #tpu.memory_space<vmem>>
      %dma_start3A_466 = tpu.memref_squeeze %dma_start3A_465 : memref<1x128x128xf32, #tpu.memory_space<vmem>> -> memref<128x128xf32, #tpu.memory_space<vmem>>
      %dma_start3A_467 = arith.constant 0 : i32
      %dma_start3A_468 = tpu.memref_slice %arg5[%add3A_461, %dma_start3A_467] : memref<200x128xi32, #tpu.memory_space<vmem>> -> memref<1x128xi32, #tpu.memory_space<vmem>>
      %dma_start3A_469 = tpu.memref_squeeze %dma_start3A_468 : memref<1x128xi32, #tpu.memory_space<vmem>> -> memref<128xi32, #tpu.memory_space<vmem>>
      %dma_start3A_470 = arith.constant 0 : i32
      %dma_start3A_471 = arith.constant 0 : i32
      %dma_start3A_472 = tpu.memref_slice %arg3[%dma_start3A_470, %dma_start3A_471] : memref<100000x128xf32, #tpu.memory_space<hbm>> -> memref<100000x128xf32, #tpu.memory_space<hbm>>
      tpu.enqueue_indirect_dma source(%dma_start3A_472 : memref<100000x128xf32, #tpu.memory_space<hbm>>) target(%dma_start3A_466 : memref<128x128xf32, #tpu.memory_space<vmem>>) offsets(%dma_start3A_469 : memref<128xi32, #tpu.memory_space<vmem>>) semaphore(%arg9 : memref<!tpu.dma_semaphore, #tpu.memory_space<semaphore_mem>>)
      %dma_wait3A_473 = arith.constant 0 : i32
      %dma_wait3A_474 = arith.constant 0 : i32
      %dma_wait3A_475 = arith.constant 0 : i32
      %dma_wait3A_476 = tpu.memref_slice %arg6[%dma_wait3A_473, %dma_wait3A_474, %dma_wait3A_475] : memref<4x128x128xf32, #tpu.memory_space<vmem>> -> memref<1x128x128xf32, #tpu.memory_space<vmem>>
      %dma_wait3A_477 = tpu.memref_squeeze %dma_wait3A_476 : memref<1x128x128xf32, #tpu.memory_space<vmem>> -> memref<128x128xf32, #tpu.memory_space<vmem>>
      %dma_wait3A_478 = arith.constant 0 : i32
      %dma_wait3A_479 = tpu.memref_slice %arg5[%add3A_442, %dma_wait3A_478] : memref<200x128xi32, #tpu.memory_space<vmem>> -> memref<1x128xi32, #tpu.memory_space<vmem>>
      %dma_wait3A_480 = tpu.memref_squeeze %dma_wait3A_479 : memref<1x128xi32, #tpu.memory_space<vmem>> -> memref<128xi32, #tpu.memory_space<vmem>>
      %dma_wait3A_481 = arith.constant 0 : i32
      %dma_wait3A_482 = arith.constant 0 : i32
      %dma_wait3A_483 = tpu.memref_slice %arg3[%dma_wait3A_481, %dma_wait3A_482] : memref<100000x128xf32, #tpu.memory_space<hbm>> -> memref<100000x128xf32, #tpu.memory_space<hbm>>
      tpu.wait_indirect_dma semaphore(%arg7 : memref<!tpu.dma_semaphore, #tpu.memory_space<semaphore_mem>>) src(%dma_wait3A_483 : memref<100000x128xf32, #tpu.memory_space<hbm>>) dst(%dma_wait3A_477 : memref<128x128xf32, #tpu.memory_space<vmem>>)
      %mul3A_484 = arith.constant 128 : i32
      %mul3A_485 = arith.muli %add3A_442, %mul3A_484 : i32
      %add3A_486 = arith.addi %mul3A_2, %mul3A_485 : i32
      %dma_start3A_487 = arith.constant 0 : i32
      %dma_start3A_488 = arith.constant 0 : i32
      %dma_start3A_489 = arith.constant 0 : i32
      %dma_start3A_490 = tpu.memref_slice %arg6[%dma_start3A_487, %dma_start3A_488, %dma_start3A_489] : memref<4x128x128xf32, #tpu.memory_space<vmem>> -> memref<1x128x128xf32, #tpu.memory_space<vmem>>
      %dma_start3A_491 = tpu.memref_squeeze %dma_start3A_490 : memref<1x128x128xf32, #tpu.memory_space<vmem>> -> memref<128x128xf32, #tpu.memory_space<vmem>>
      %dma_start3A_492 = arith.constant 0 : i32
      %dma_start3A_493 = tpu.memref_slice %arg4[%add3A_486, %dma_start3A_492] : memref<819200x128xf32, #tpu.memory_space<hbm>> -> memref<128x128xf32, #tpu.memory_space<hbm>>
      %dma_start3A_494 = arith.constant 0 : i32
      %dma_start3A_495 = tpu.memref_slice %arg4[%add3A_486, %dma_start3A_494] : memref<819200x128xf32, #tpu.memory_space<hbm>> -> memref<128x128xf32, #tpu.memory_space<hbm>>
      %dma_start3A_496 = arith.constant 0 : i32
      %dma_start3A_497 = arith.constant 0 : i32
      %dma_start3A_498 = tpu.memref_slice %arg6[%dma_start3A_487, %dma_start3A_496, %dma_start3A_497] : memref<4x128x128xf32, #tpu.memory_space<vmem>> -> memref<1x128x128xf32, #tpu.memory_space<vmem>>
      %dma_start3A_499 = tpu.memref_squeeze %dma_start3A_498 : memref<1x128x128xf32, #tpu.memory_space<vmem>> -> memref<128x128xf32, #tpu.memory_space<vmem>>
      tpu.enqueue_dma source(%dma_start3A_499 : memref<128x128xf32, #tpu.memory_space<vmem>>) target(%dma_start3A_495 : memref<128x128xf32, #tpu.memory_space<hbm>>) target_semaphore(%arg11 : memref<!tpu.dma_semaphore, #tpu.memory_space<semaphore_mem>>)
      %add3A_500 = arith.constant 1 : i32
      %add3A_501 = arith.addi %mul3A_440, %add3A_500 : i32
      %sub3A_502 = arith.constant 2 : i32
      %sub3A_503 = arith.subi %add3A_501, %sub3A_502 : i32
      %mul3A_504 = arith.constant 128 : i32
      %mul3A_505 = arith.muli %sub3A_503, %mul3A_504 : i32
      %add3A_506 = arith.addi %mul3A_2, %mul3A_505 : i32
      %dma_wait3A_507 = arith.constant 3 : i32
      %dma_wait3A_508 = arith.constant 0 : i32
      %dma_wait3A_509 = arith.constant 0 : i32
      %dma_wait3A_510 = tpu.memref_slice %arg6[%dma_wait3A_507, %dma_wait3A_508, %dma_wait3A_509] : memref<4x128x128xf32, #tpu.memory_space<vmem>> -> memref<1x128x128xf32, #tpu.memory_space<vmem>>
      %dma_wait3A_511 = tpu.memref_squeeze %dma_wait3A_510 : memref<1x128x128xf32, #tpu.memory_space<vmem>> -> memref<128x128xf32, #tpu.memory_space<vmem>>
      %dma_wait3A_512 = arith.constant 0 : i32
      %dma_wait3A_513 = tpu.memref_slice %arg4[%add3A_506, %dma_wait3A_512] : memref<819200x128xf32, #tpu.memory_space<hbm>> -> memref<128x128xf32, #tpu.memory_space<hbm>>
      %dma_wait3A_514 = arith.constant 0 : i32
      %dma_wait3A_515 = tpu.memref_slice %arg4[%add3A_506, %dma_wait3A_514] : memref<819200x128xf32, #tpu.memory_space<hbm>> -> memref<128x128xf32, #tpu.memory_space<hbm>>
      %dma_wait3A_516 = arith.constant 0 : i32
      %dma_wait3A_517 = arith.constant 0 : i32
      %dma_wait3A_518 = tpu.memref_slice %arg6[%dma_wait3A_507, %dma_wait3A_516, %dma_wait3A_517] : memref<4x128x128xf32, #tpu.memory_space<vmem>> -> memref<1x128x128xf32, #tpu.memory_space<vmem>>
      %dma_wait3A_519 = tpu.memref_squeeze %dma_wait3A_518 : memref<1x128x128xf32, #tpu.memory_space<vmem>> -> memref<128x128xf32, #tpu.memory_space<vmem>>
      tpu.wait_dma2 semaphore(%arg14 : memref<!tpu.dma_semaphore, #tpu.memory_space<semaphore_mem>>) src(%dma_wait3A_519 : memref<128x128xf32, #tpu.memory_space<vmem>>) dst(%dma_wait3A_515 : memref<128x128xf32, #tpu.memory_space<hbm>>)
      %add3A_520 = arith.constant 2 : i32
      %add3A_521 = arith.addi %add3A_501, %add3A_520 : i32
      %dma_start3A_522 = arith.constant 3 : i32
      %dma_start3A_523 = arith.constant 0 : i32
      %dma_start3A_524 = arith.constant 0 : i32
      %dma_start3A_525 = tpu.memref_slice %arg6[%dma_start3A_522, %dma_start3A_523, %dma_start3A_524] : memref<4x128x128xf32, #tpu.memory_space<vmem>> -> memref<1x128x128xf32, #tpu.memory_space<vmem>>
      %dma_start3A_526 = tpu.memref_squeeze %dma_start3A_525 : memref<1x128x128xf32, #tpu.memory_space<vmem>> -> memref<128x128xf32, #tpu.memory_space<vmem>>
      %dma_start3A_527 = arith.constant 0 : i32
      %dma_start3A_528 = tpu.memref_slice %arg5[%add3A_521, %dma_start3A_527] : memref<200x128xi32, #tpu.memory_space<vmem>> -> memref<1x128xi32, #tpu.memory_space<vmem>>
      %dma_start3A_529 = tpu.memref_squeeze %dma_start3A_528 : memref<1x128xi32, #tpu.memory_space<vmem>> -> memref<128xi32, #tpu.memory_space<vmem>>
      %dma_start3A_530 = arith.constant 0 : i32
      %dma_start3A_531 = arith.constant 0 : i32
      %dma_start3A_532 = tpu.memref_slice %arg3[%dma_start3A_530, %dma_start3A_531] : memref<100000x128xf32, #tpu.memory_space<hbm>> -> memref<100000x128xf32, #tpu.memory_space<hbm>>
      tpu.enqueue_indirect_dma source(%dma_start3A_532 : memref<100000x128xf32, #tpu.memory_space<hbm>>) target(%dma_start3A_526 : memref<128x128xf32, #tpu.memory_space<vmem>>) offsets(%dma_start3A_529 : memref<128xi32, #tpu.memory_space<vmem>>) semaphore(%arg10 : memref<!tpu.dma_semaphore, #tpu.memory_space<semaphore_mem>>)
      %dma_wait3A_533 = arith.constant 1 : i32
      %dma_wait3A_534 = arith.constant 0 : i32
      %dma_wait3A_535 = arith.constant 0 : i32
      %dma_wait3A_536 = tpu.memref_slice %arg6[%dma_wait3A_533, %dma_wait3A_534, %dma_wait3A_535] : memref<4x128x128xf32, #tpu.memory_space<vmem>> -> memref<1x128x128xf32, #tpu.memory_space<vmem>>
      %dma_wait3A_537 = tpu.memref_squeeze %dma_wait3A_536 : memref<1x128x128xf32, #tpu.memory_space<vmem>> -> memref<128x128xf32, #tpu.memory_space<vmem>>
      %dma_wait3A_538 = arith.constant 0 : i32
      %dma_wait3A_539 = tpu.memref_slice %arg5[%add3A_501, %dma_wait3A_538] : memref<200x128xi32, #tpu.memory_space<vmem>> -> memref<1x128xi32, #tpu.memory_space<vmem>>
      %dma_wait3A_540 = tpu.memref_squeeze %dma_wait3A_539 : memref<1x128xi32, #tpu.memory_space<vmem>> -> memref<128xi32, #tpu.memory_space<vmem>>
      %dma_wait3A_541 = arith.constant 0 : i32
      %dma_wait3A_542 = arith.constant 0 : i32
      %dma_wait3A_543 = tpu.memref_slice %arg3[%dma_wait3A_541, %dma_wait3A_542] : memref<100000x128xf32, #tpu.memory_space<hbm>> -> memref<100000x128xf32, #tpu.memory_space<hbm>>
      tpu.wait_indirect_dma semaphore(%arg8 : memref<!tpu.dma_semaphore, #tpu.memory_space<semaphore_mem>>) src(%dma_wait3A_543 : memref<100000x128xf32, #tpu.memory_space<hbm>>) dst(%dma_wait3A_537 : memref<128x128xf32, #tpu.memory_space<vmem>>)
      %mul3A_544 = arith.constant 128 : i32
      %mul3A_545 = arith.muli %add3A_501, %mul3A_544 : i32
      %add3A_546 = arith.addi %mul3A_2, %mul3A_545 : i32
      %dma_start3A_547 = arith.constant 1 : i32
      %dma_start3A_548 = arith.constant 0 : i32
      %dma_start3A_549 = arith.constant 0 : i32
      %dma_start3A_550 = tpu.memref_slice %arg6[%dma_start3A_547, %dma_start3A_548, %dma_start3A_549] : memref<4x128x128xf32, #tpu.memory_space<vmem>> -> memref<1x128x128xf32, #tpu.memory_space<vmem>>
      %dma_start3A_551 = tpu.memref_squeeze %dma_start3A_550 : memref<1x128x128xf32, #tpu.memory_space<vmem>> -> memref<128x128xf32, #tpu.memory_space<vmem>>
      %dma_start3A_552 = arith.constant 0 : i32
      %dma_start3A_553 = tpu.memref_slice %arg4[%add3A_546, %dma_start3A_552] : memref<819200x128xf32, #tpu.memory_space<hbm>> -> memref<128x128xf32, #tpu.memory_space<hbm>>
      %dma_start3A_554 = arith.constant 0 : i32
      %dma_start3A_555 = tpu.memref_slice %arg4[%add3A_546, %dma_start3A_554] : memref<819200x128xf32, #tpu.memory_space<hbm>> -> memref<128x128xf32, #tpu.memory_space<hbm>>
      %dma_start3A_556 = arith.constant 0 : i32
      %dma_start3A_557 = arith.constant 0 : i32
      %dma_start3A_558 = tpu.memref_slice %arg6[%dma_start3A_547, %dma_start3A_556, %dma_start3A_557] : memref<4x128x128xf32, #tpu.memory_space<vmem>> -> memref<1x128x128xf32, #tpu.memory_space<vmem>>
      %dma_start3A_559 = tpu.memref_squeeze %dma_start3A_558 : memref<1x128x128xf32, #tpu.memory_space<vmem>> -> memref<128x128xf32, #tpu.memory_space<vmem>>
      tpu.enqueue_dma source(%dma_start3A_559 : memref<128x128xf32, #tpu.memory_space<vmem>>) target(%dma_start3A_555 : memref<128x128xf32, #tpu.memory_space<hbm>>) target_semaphore(%arg12 : memref<!tpu.dma_semaphore, #tpu.memory_space<semaphore_mem>>)
      %add3A_560 = arith.constant 2 : i32
      %add3A_561 = arith.addi %mul3A_440, %add3A_560 : i32
      %sub3A_562 = arith.constant 2 : i32
      %sub3A_563 = arith.subi %add3A_561, %sub3A_562 : i32
      %mul3A_564 = arith.constant 128 : i32
      %mul3A_565 = arith.muli %sub3A_563, %mul3A_564 : i32
      %add3A_566 = arith.addi %mul3A_2, %mul3A_565 : i32
      %dma_wait3A_567 = arith.constant 0 : i32
      %dma_wait3A_568 = arith.constant 0 : i32
      %dma_wait3A_569 = arith.constant 0 : i32
      %dma_wait3A_570 = tpu.memref_slice %arg6[%dma_wait3A_567, %dma_wait3A_568, %dma_wait3A_569] : memref<4x128x128xf32, #tpu.memory_space<vmem>> -> memref<1x128x128xf32, #tpu.memory_space<vmem>>
      %dma_wait3A_571 = tpu.memref_squeeze %dma_wait3A_570 : memref<1x128x128xf32, #tpu.memory_space<vmem>> -> memref<128x128xf32, #tpu.memory_space<vmem>>
      %dma_wait3A_572 = arith.constant 0 : i32
      %dma_wait3A_573 = tpu.memref_slice %arg4[%add3A_566, %dma_wait3A_572] : memref<819200x128xf32, #tpu.memory_space<hbm>> -> memref<128x128xf32, #tpu.memory_space<hbm>>
      %dma_wait3A_574 = arith.constant 0 : i32
      %dma_wait3A_575 = tpu.memref_slice %arg4[%add3A_566, %dma_wait3A_574] : memref<819200x128xf32, #tpu.memory_space<hbm>> -> memref<128x128xf32, #tpu.memory_space<hbm>>
      %dma_wait3A_576 = arith.constant 0 : i32
      %dma_wait3A_577 = arith.constant 0 : i32
      %dma_wait3A_578 = tpu.memref_slice %arg6[%dma_wait3A_567, %dma_wait3A_576, %dma_wait3A_577] : memref<4x128x128xf32, #tpu.memory_space<vmem>> -> memref<1x128x128xf32, #tpu.memory_space<vmem>>
      %dma_wait3A_579 = tpu.memref_squeeze %dma_wait3A_578 : memref<1x128x128xf32, #tpu.memory_space<vmem>> -> memref<128x128xf32, #tpu.memory_space<vmem>>
      tpu.wait_dma2 semaphore(%arg11 : memref<!tpu.dma_semaphore, #tpu.memory_space<semaphore_mem>>) src(%dma_wait3A_579 : memref<128x128xf32, #tpu.memory_space<vmem>>) dst(%dma_wait3A_575 : memref<128x128xf32, #tpu.memory_space<hbm>>)
      %add3A_580 = arith.constant 2 : i32
      %add3A_581 = arith.addi %add3A_561, %add3A_580 : i32
      %dma_start3A_582 = arith.constant 0 : i32
      %dma_start3A_583 = arith.constant 0 : i32
      %dma_start3A_584 = arith.constant 0 : i32
      %dma_start3A_585 = tpu.memref_slice %arg6[%dma_start3A_582, %dma_start3A_583, %dma_start3A_584] : memref<4x128x128xf32, #tpu.memory_space<vmem>> -> memref<1x128x128xf32, #tpu.memory_space<vmem>>
      %dma_start3A_586 = tpu.memref_squeeze %dma_start3A_585 : memref<1x128x128xf32, #tpu.memory_space<vmem>> -> memref<128x128xf32, #tpu.memory_space<vmem>>
      %dma_start3A_587 = arith.constant 0 : i32
      %dma_start3A_588 = tpu.memref_slice %arg5[%add3A_581, %dma_start3A_587] : memref<200x128xi32, #tpu.memory_space<vmem>> -> memref<1x128xi32, #tpu.memory_space<vmem>>
      %dma_start3A_589 = tpu.memref_squeeze %dma_start3A_588 : memref<1x128xi32, #tpu.memory_space<vmem>> -> memref<128xi32, #tpu.memory_space<vmem>>
      %dma_start3A_590 = arith.constant 0 : i32
      %dma_start3A_591 = arith.constant 0 : i32
      %dma_start3A_592 = tpu.memref_slice %arg3[%dma_start3A_590, %dma_start3A_591] : memref<100000x128xf32, #tpu.memory_space<hbm>> -> memref<100000x128xf32, #tpu.memory_space<hbm>>
      tpu.enqueue_indirect_dma source(%dma_start3A_592 : memref<100000x128xf32, #tpu.memory_space<hbm>>) target(%dma_start3A_586 : memref<128x128xf32, #tpu.memory_space<vmem>>) offsets(%dma_start3A_589 : memref<128xi32, #tpu.memory_space<vmem>>) semaphore(%arg7 : memref<!tpu.dma_semaphore, #tpu.memory_space<semaphore_mem>>)
      %dma_wait3A_593 = arith.constant 2 : i32
      %dma_wait3A_594 = arith.constant 0 : i32
      %dma_wait3A_595 = arith.constant 0 : i32
      %dma_wait3A_596 = tpu.memref_slice %arg6[%dma_wait3A_593, %dma_wait3A_594, %dma_wait3A_595] : memref<4x128x128xf32, #tpu.memory_space<vmem>> -> memref<1x128x128xf32, #tpu.memory_space<vmem>>
      %dma_wait3A_597 = tpu.memref_squeeze %dma_wait3A_596 : memref<1x128x128xf32, #tpu.memory_space<vmem>> -> memref<128x128xf32, #tpu.memory_space<vmem>>
      %dma_wait3A_598 = arith.constant 0 : i32
      %dma_wait3A_599 = tpu.memref_slice %arg5[%add3A_561, %dma_wait3A_598] : memref<200x128xi32, #tpu.memory_space<vmem>> -> memref<1x128xi32, #tpu.memory_space<vmem>>
      %dma_wait3A_600 = tpu.memref_squeeze %dma_wait3A_599 : memref<1x128xi32, #tpu.memory_space<vmem>> -> memref<128xi32, #tpu.memory_space<vmem>>
      %dma_wait3A_601 = arith.constant 0 : i32
      %dma_wait3A_602 = arith.constant 0 : i32
      %dma_wait3A_603 = tpu.memref_slice %arg3[%dma_wait3A_601, %dma_wait3A_602] : memref<100000x128xf32, #tpu.memory_space<hbm>> -> memref<100000x128xf32, #tpu.memory_space<hbm>>
      tpu.wait_indirect_dma semaphore(%arg9 : memref<!tpu.dma_semaphore, #tpu.memory_space<semaphore_mem>>) src(%dma_wait3A_603 : memref<100000x128xf32, #tpu.memory_space<hbm>>) dst(%dma_wait3A_597 : memref<128x128xf32, #tpu.memory_space<vmem>>)
      %mul3A_604 = arith.constant 128 : i32
      %mul3A_605 = arith.muli %add3A_561, %mul3A_604 : i32
      %add3A_606 = arith.addi %mul3A_2, %mul3A_605 : i32
      %dma_start3A_607 = arith.constant 2 : i32
      %dma_start3A_608 = arith.constant 0 : i32
      %dma_start3A_609 = arith.constant 0 : i32
      %dma_start3A_610 = tpu.memref_slice %arg6[%dma_start3A_607, %dma_start3A_608, %dma_start3A_609] : memref<4x128x128xf32, #tpu.memory_space<vmem>> -> memref<1x128x128xf32, #tpu.memory_space<vmem>>
      %dma_start3A_611 = tpu.memref_squeeze %dma_start3A_610 : memref<1x128x128xf32, #tpu.memory_space<vmem>> -> memref<128x128xf32, #tpu.memory_space<vmem>>
      %dma_start3A_612 = arith.constant 0 : i32
      %dma_start3A_613 = tpu.memref_slice %arg4[%add3A_606, %dma_start3A_612] : memref<819200x128xf32, #tpu.memory_space<hbm>> -> memref<128x128xf32, #tpu.memory_space<hbm>>
      %dma_start3A_614 = arith.constant 0 : i32
      %dma_start3A_615 = tpu.memref_slice %arg4[%add3A_606, %dma_start3A_614] : memref<819200x128xf32, #tpu.memory_space<hbm>> -> memref<128x128xf32, #tpu.memory_space<hbm>>
      %dma_start3A_616 = arith.constant 0 : i32
      %dma_start3A_617 = arith.constant 0 : i32
      %dma_start3A_618 = tpu.memref_slice %arg6[%dma_start3A_607, %dma_start3A_616, %dma_start3A_617] : memref<4x128x128xf32, #tpu.memory_space<vmem>> -> memref<1x128x128xf32, #tpu.memory_space<vmem>>
      %dma_start3A_619 = tpu.memref_squeeze %dma_start3A_618 : memref<1x128x128xf32, #tpu.memory_space<vmem>> -> memref<128x128xf32, #tpu.memory_space<vmem>>
      tpu.enqueue_dma source(%dma_start3A_619 : memref<128x128xf32, #tpu.memory_space<vmem>>) target(%dma_start3A_615 : memref<128x128xf32, #tpu.memory_space<hbm>>) target_semaphore(%arg13 : memref<!tpu.dma_semaphore, #tpu.memory_space<semaphore_mem>>)
      %add3A_620 = arith.constant 3 : i32
      %add3A_621 = arith.addi %mul3A_440, %add3A_620 : i32
      %sub3A_622 = arith.constant 2 : i32
      %sub3A_623 = arith.subi %add3A_621, %sub3A_622 : i32
      %mul3A_624 = arith.constant 128 : i32
      %mul3A_625 = arith.muli %sub3A_623, %mul3A_624 : i32
      %add3A_626 = arith.addi %mul3A_2, %mul3A_625 : i32
      %dma_wait3A_627 = arith.constant 1 : i32
      %dma_wait3A_628 = arith.constant 0 : i32
      %dma_wait3A_629 = arith.constant 0 : i32
      %dma_wait3A_630 = tpu.memref_slice %arg6[%dma_wait3A_627, %dma_wait3A_628, %dma_wait3A_629] : memref<4x128x128xf32, #tpu.memory_space<vmem>> -> memref<1x128x128xf32, #tpu.memory_space<vmem>>
      %dma_wait3A_631 = tpu.memref_squeeze %dma_wait3A_630 : memref<1x128x128xf32, #tpu.memory_space<vmem>> -> memref<128x128xf32, #tpu.memory_space<vmem>>
      %dma_wait3A_632 = arith.constant 0 : i32
      %dma_wait3A_633 = tpu.memref_slice %arg4[%add3A_626, %dma_wait3A_632] : memref<819200x128xf32, #tpu.memory_space<hbm>> -> memref<128x128xf32, #tpu.memory_space<hbm>>
      %dma_wait3A_634 = arith.constant 0 : i32
      %dma_wait3A_635 = tpu.memref_slice %arg4[%add3A_626, %dma_wait3A_634] : memref<819200x128xf32, #tpu.memory_space<hbm>> -> memref<128x128xf32, #tpu.memory_space<hbm>>
      %dma_wait3A_636 = arith.constant 0 : i32
      %dma_wait3A_637 = arith.constant 0 : i32
      %dma_wait3A_638 = tpu.memref_slice %arg6[%dma_wait3A_627, %dma_wait3A_636, %dma_wait3A_637] : memref<4x128x128xf32, #tpu.memory_space<vmem>> -> memref<1x128x128xf32, #tpu.memory_space<vmem>>
      %dma_wait3A_639 = tpu.memref_squeeze %dma_wait3A_638 : memref<1x128x128xf32, #tpu.memory_space<vmem>> -> memref<128x128xf32, #tpu.memory_space<vmem>>
      tpu.wait_dma2 semaphore(%arg12 : memref<!tpu.dma_semaphore, #tpu.memory_space<semaphore_mem>>) src(%dma_wait3A_639 : memref<128x128xf32, #tpu.memory_space<vmem>>) dst(%dma_wait3A_635 : memref<128x128xf32, #tpu.memory_space<hbm>>)
      %add3A_640 = arith.constant 2 : i32
      %add3A_641 = arith.addi %add3A_621, %add3A_640 : i32
      %dma_start3A_642 = arith.constant 1 : i32
      %dma_start3A_643 = arith.constant 0 : i32
      %dma_start3A_644 = arith.constant 0 : i32
      %dma_start3A_645 = tpu.memref_slice %arg6[%dma_start3A_642, %dma_start3A_643, %dma_start3A_644] : memref<4x128x128xf32, #tpu.memory_space<vmem>> -> memref<1x128x128xf32, #tpu.memory_space<vmem>>
      %dma_start3A_646 = tpu.memref_squeeze %dma_start3A_645 : memref<1x128x128xf32, #tpu.memory_space<vmem>> -> memref<128x128xf32, #tpu.memory_space<vmem>>
      %dma_start3A_647 = arith.constant 0 : i32
      %dma_start3A_648 = tpu.memref_slice %arg5[%add3A_641, %dma_start3A_647] : memref<200x128xi32, #tpu.memory_space<vmem>> -> memref<1x128xi32, #tpu.memory_space<vmem>>
      %dma_start3A_649 = tpu.memref_squeeze %dma_start3A_648 : memref<1x128xi32, #tpu.memory_space<vmem>> -> memref<128xi32, #tpu.memory_space<vmem>>
      %dma_start3A_650 = arith.constant 0 : i32
      %dma_start3A_651 = arith.constant 0 : i32
      %dma_start3A_652 = tpu.memref_slice %arg3[%dma_start3A_650, %dma_start3A_651] : memref<100000x128xf32, #tpu.memory_space<hbm>> -> memref<100000x128xf32, #tpu.memory_space<hbm>>
      tpu.enqueue_indirect_dma source(%dma_start3A_652 : memref<100000x128xf32, #tpu.memory_space<hbm>>) target(%dma_start3A_646 : memref<128x128xf32, #tpu.memory_space<vmem>>) offsets(%dma_start3A_649 : memref<128xi32, #tpu.memory_space<vmem>>) semaphore(%arg8 : memref<!tpu.dma_semaphore, #tpu.memory_space<semaphore_mem>>)
      %dma_wait3A_653 = arith.constant 3 : i32
      %dma_wait3A_654 = arith.constant 0 : i32
      %dma_wait3A_655 = arith.constant 0 : i32
      %dma_wait3A_656 = tpu.memref_slice %arg6[%dma_wait3A_653, %dma_wait3A_654, %dma_wait3A_655] : memref<4x128x128xf32, #tpu.memory_space<vmem>> -> memref<1x128x128xf32, #tpu.memory_space<vmem>>
      %dma_wait3A_657 = tpu.memref_squeeze %dma_wait3A_656 : memref<1x128x128xf32, #tpu.memory_space<vmem>> -> memref<128x128xf32, #tpu.memory_space<vmem>>
      %dma_wait3A_658 = arith.constant 0 : i32
      %dma_wait3A_659 = tpu.memref_slice %arg5[%add3A_621, %dma_wait3A_658] : memref<200x128xi32, #tpu.memory_space<vmem>> -> memref<1x128xi32, #tpu.memory_space<vmem>>
      %dma_wait3A_660 = tpu.memref_squeeze %dma_wait3A_659 : memref<1x128xi32, #tpu.memory_space<vmem>> -> memref<128xi32, #tpu.memory_space<vmem>>
      %dma_wait3A_661 = arith.constant 0 : i32
      %dma_wait3A_662 = arith.constant 0 : i32
      %dma_wait3A_663 = tpu.memref_slice %arg3[%dma_wait3A_661, %dma_wait3A_662] : memref<100000x128xf32, #tpu.memory_space<hbm>> -> memref<100000x128xf32, #tpu.memory_space<hbm>>
      tpu.wait_indirect_dma semaphore(%arg10 : memref<!tpu.dma_semaphore, #tpu.memory_space<semaphore_mem>>) src(%dma_wait3A_663 : memref<100000x128xf32, #tpu.memory_space<hbm>>) dst(%dma_wait3A_657 : memref<128x128xf32, #tpu.memory_space<vmem>>)
      %mul3A_664 = arith.constant 128 : i32
      %mul3A_665 = arith.muli %add3A_621, %mul3A_664 : i32
      %add3A_666 = arith.addi %mul3A_2, %mul3A_665 : i32
      %dma_start3A_667 = arith.constant 3 : i32
      %dma_start3A_668 = arith.constant 0 : i32
      %dma_start3A_669 = arith.constant 0 : i32
      %dma_start3A_670 = tpu.memref_slice %arg6[%dma_start3A_667, %dma_start3A_668, %dma_start3A_669] : memref<4x128x128xf32, #tpu.memory_space<vmem>> -> memref<1x128x128xf32, #tpu.memory_space<vmem>>
      %dma_start3A_671 = tpu.memref_squeeze %dma_start3A_670 : memref<1x128x128xf32, #tpu.memory_space<vmem>> -> memref<128x128xf32, #tpu.memory_space<vmem>>
      %dma_start3A_672 = arith.constant 0 : i32
      %dma_start3A_673 = tpu.memref_slice %arg4[%add3A_666, %dma_start3A_672] : memref<819200x128xf32, #tpu.memory_space<hbm>> -> memref<128x128xf32, #tpu.memory_space<hbm>>
      %dma_start3A_674 = arith.constant 0 : i32
      %dma_start3A_675 = tpu.memref_slice %arg4[%add3A_666, %dma_start3A_674] : memref<819200x128xf32, #tpu.memory_space<hbm>> -> memref<128x128xf32, #tpu.memory_space<hbm>>
      %dma_start3A_676 = arith.constant 0 : i32
      %dma_start3A_677 = arith.constant 0 : i32
      %dma_start3A_678 = tpu.memref_slice %arg6[%dma_start3A_667, %dma_start3A_676, %dma_start3A_677] : memref<4x128x128xf32, #tpu.memory_space<vmem>> -> memref<1x128x128xf32, #tpu.memory_space<vmem>>
      %dma_start3A_679 = tpu.memref_squeeze %dma_start3A_678 : memref<1x128x128xf32, #tpu.memory_space<vmem>> -> memref<128x128xf32, #tpu.memory_space<vmem>>
      tpu.enqueue_dma source(%dma_start3A_679 : memref<128x128xf32, #tpu.memory_space<vmem>>) target(%dma_start3A_675 : memref<128x128xf32, #tpu.memory_space<hbm>>) target_semaphore(%arg14 : memref<!tpu.dma_semaphore, #tpu.memory_space<semaphore_mem>>)
    }
    %scan3A_215 = arith.constant 48 : i32
    %add3A_216 = arith.constant 24832 : i32
    %add3A_217 = arith.addi %mul3A_2, %add3A_216 : i32
    %dma_wait3A_218 = arith.constant 2 : i32
    %dma_wait3A_219 = arith.constant 0 : i32
    %dma_wait3A_220 = arith.constant 0 : i32
    %dma_wait3A_221 = tpu.memref_slice %arg6[%dma_wait3A_218, %dma_wait3A_219, %dma_wait3A_220] : memref<4x128x128xf32, #tpu.memory_space<vmem>> -> memref<1x128x128xf32, #tpu.memory_space<vmem>>
    %dma_wait3A_222 = tpu.memref_squeeze %dma_wait3A_221 : memref<1x128x128xf32, #tpu.memory_space<vmem>> -> memref<128x128xf32, #tpu.memory_space<vmem>>
    %dma_wait3A_223 = arith.constant 0 : i32
    %dma_wait3A_224 = tpu.memref_slice %arg4[%add3A_217, %dma_wait3A_223] : memref<819200x128xf32, #tpu.memory_space<hbm>> -> memref<128x128xf32, #tpu.memory_space<hbm>>
    %dma_wait3A_225 = arith.constant 0 : i32
    %dma_wait3A_226 = tpu.memref_slice %arg4[%add3A_217, %dma_wait3A_225] : memref<819200x128xf32, #tpu.memory_space<hbm>> -> memref<128x128xf32, #tpu.memory_space<hbm>>
    %dma_wait3A_227 = arith.constant 0 : i32
    %dma_wait3A_228 = arith.constant 0 : i32
    %dma_wait3A_229 = tpu.memref_slice %arg6[%dma_wait3A_218, %dma_wait3A_227, %dma_wait3A_228] : memref<4x128x128xf32, #tpu.memory_space<vmem>> -> memref<1x128x128xf32, #tpu.memory_space<vmem>>
    %dma_wait3A_230 = tpu.memref_squeeze %dma_wait3A_229 : memref<1x128x128xf32, #tpu.memory_space<vmem>> -> memref<128x128xf32, #tpu.memory_space<vmem>>
    tpu.wait_dma2 semaphore(%arg13 : memref<!tpu.dma_semaphore, #tpu.memory_space<semaphore_mem>>) src(%dma_wait3A_230 : memref<128x128xf32, #tpu.memory_space<vmem>>) dst(%dma_wait3A_226 : memref<128x128xf32, #tpu.memory_space<hbm>>)
    %dma_start3A_231 = arith.constant 198 : i32
    %dma_start3A_232 = arith.constant 2 : i32
    %dma_start3A_233 = arith.constant 0 : i32
    %dma_start3A_234 = arith.constant 0 : i32
    %dma_start3A_235 = tpu.memref_slice %arg6[%dma_start3A_232, %dma_start3A_233, %dma_start3A_234] : memref<4x128x128xf32, #tpu.memory_space<vmem>> -> memref<1x128x128xf32, #tpu.memory_space<vmem>>
    %dma_start3A_236 = tpu.memref_squeeze %dma_start3A_235 : memref<1x128x128xf32, #tpu.memory_space<vmem>> -> memref<128x128xf32, #tpu.memory_space<vmem>>
    %dma_start3A_237 = arith.constant 0 : i32
    %dma_start3A_238 = tpu.memref_slice %arg5[%dma_start3A_231, %dma_start3A_237] : memref<200x128xi32, #tpu.memory_space<vmem>> -> memref<1x128xi32, #tpu.memory_space<vmem>>
    %dma_start3A_239 = tpu.memref_squeeze %dma_start3A_238 : memref<1x128xi32, #tpu.memory_space<vmem>> -> memref<128xi32, #tpu.memory_space<vmem>>
    %dma_start3A_240 = arith.constant 0 : i32
    %dma_start3A_241 = arith.constant 0 : i32
    %dma_start3A_242 = tpu.memref_slice %arg3[%dma_start3A_240, %dma_start3A_241] : memref<100000x128xf32, #tpu.memory_space<hbm>> -> memref<100000x128xf32, #tpu.memory_space<hbm>>
    tpu.enqueue_indirect_dma source(%dma_start3A_242 : memref<100000x128xf32, #tpu.memory_space<hbm>>) target(%dma_start3A_236 : memref<128x128xf32, #tpu.memory_space<vmem>>) offsets(%dma_start3A_239 : memref<128xi32, #tpu.memory_space<vmem>>) semaphore(%arg9 : memref<!tpu.dma_semaphore, #tpu.memory_space<semaphore_mem>>)
    %dma_wait3A_243 = arith.constant 196 : i32
    %dma_wait3A_244 = arith.constant 0 : i32
    %dma_wait3A_245 = arith.constant 0 : i32
    %dma_wait3A_246 = arith.constant 0 : i32
    %dma_wait3A_247 = tpu.memref_slice %arg6[%dma_wait3A_244, %dma_wait3A_245, %dma_wait3A_246] : memref<4x128x128xf32, #tpu.memory_space<vmem>> -> memref<1x128x128xf32, #tpu.memory_space<vmem>>
    %dma_wait3A_248 = tpu.memref_squeeze %dma_wait3A_247 : memref<1x128x128xf32, #tpu.memory_space<vmem>> -> memref<128x128xf32, #tpu.memory_space<vmem>>
    %dma_wait3A_249 = arith.constant 0 : i32
    %dma_wait3A_250 = tpu.memref_slice %arg5[%dma_wait3A_243, %dma_wait3A_249] : memref<200x128xi32, #tpu.memory_space<vmem>> -> memref<1x128xi32, #tpu.memory_space<vmem>>
    %dma_wait3A_251 = tpu.memref_squeeze %dma_wait3A_250 : memref<1x128xi32, #tpu.memory_space<vmem>> -> memref<128xi32, #tpu.memory_space<vmem>>
    %dma_wait3A_252 = arith.constant 0 : i32
    %dma_wait3A_253 = arith.constant 0 : i32
    %dma_wait3A_254 = tpu.memref_slice %arg3[%dma_wait3A_252, %dma_wait3A_253] : memref<100000x128xf32, #tpu.memory_space<hbm>> -> memref<100000x128xf32, #tpu.memory_space<hbm>>
    tpu.wait_indirect_dma semaphore(%arg7 : memref<!tpu.dma_semaphore, #tpu.memory_space<semaphore_mem>>) src(%dma_wait3A_254 : memref<100000x128xf32, #tpu.memory_space<hbm>>) dst(%dma_wait3A_248 : memref<128x128xf32, #tpu.memory_space<vmem>>)
    %add3A_255 = arith.constant 25088 : i32
    %add3A_256 = arith.addi %mul3A_2, %add3A_255 : i32
    %dma_start3A_257 = arith.constant 0 : i32
    %dma_start3A_258 = arith.constant 0 : i32
    %dma_start3A_259 = arith.constant 0 : i32
    %dma_start3A_260 = tpu.memref_slice %arg6[%dma_start3A_257, %dma_start3A_258, %dma_start3A_259] : memref<4x128x128xf32, #tpu.memory_space<vmem>> -> memref<1x128x128xf32, #tpu.memory_space<vmem>>
    %dma_start3A_261 = tpu.memref_squeeze %dma_start3A_260 : memref<1x128x128xf32, #tpu.memory_space<vmem>> -> memref<128x128xf32, #tpu.memory_space<vmem>>
    %dma_start3A_262 = arith.constant 0 : i32
    %dma_start3A_263 = tpu.memref_slice %arg4[%add3A_256, %dma_start3A_262] : memref<819200x128xf32, #tpu.memory_space<hbm>> -> memref<128x128xf32, #tpu.memory_space<hbm>>
    %dma_start3A_264 = arith.constant 0 : i32
    %dma_start3A_265 = tpu.memref_slice %arg4[%add3A_256, %dma_start3A_264] : memref<819200x128xf32, #tpu.memory_space<hbm>> -> memref<128x128xf32, #tpu.memory_space<hbm>>
    %dma_start3A_266 = arith.constant 0 : i32
    %dma_start3A_267 = arith.constant 0 : i32
    %dma_start3A_268 = tpu.memref_slice %arg6[%dma_start3A_257, %dma_start3A_266, %dma_start3A_267] : memref<4x128x128xf32, #tpu.memory_space<vmem>> -> memref<1x128x128xf32, #tpu.memory_space<vmem>>
    %dma_start3A_269 = tpu.memref_squeeze %dma_start3A_268 : memref<1x128x128xf32, #tpu.memory_space<vmem>> -> memref<128x128xf32, #tpu.memory_space<vmem>>
    tpu.enqueue_dma source(%dma_start3A_269 : memref<128x128xf32, #tpu.memory_space<vmem>>) target(%dma_start3A_265 : memref<128x128xf32, #tpu.memory_space<hbm>>) target_semaphore(%arg11 : memref<!tpu.dma_semaphore, #tpu.memory_space<semaphore_mem>>)
    %add3A_270 = arith.constant 24960 : i32
    %add3A_271 = arith.addi %mul3A_2, %add3A_270 : i32
    %dma_wait3A_272 = arith.constant 3 : i32
    %dma_wait3A_273 = arith.constant 0 : i32
    %dma_wait3A_274 = arith.constant 0 : i32
    %dma_wait3A_275 = tpu.memref_slice %arg6[%dma_wait3A_272, %dma_wait3A_273, %dma_wait3A_274] : memref<4x128x128xf32, #tpu.memory_space<vmem>> -> memref<1x128x128xf32, #tpu.memory_space<vmem>>
    %dma_wait3A_276 = tpu.memref_squeeze %dma_wait3A_275 : memref<1x128x128xf32, #tpu.memory_space<vmem>> -> memref<128x128xf32, #tpu.memory_space<vmem>>
    %dma_wait3A_277 = arith.constant 0 : i32
    %dma_wait3A_278 = tpu.memref_slice %arg4[%add3A_271, %dma_wait3A_277] : memref<819200x128xf32, #tpu.memory_space<hbm>> -> memref<128x128xf32, #tpu.memory_space<hbm>>
    %dma_wait3A_279 = arith.constant 0 : i32
    %dma_wait3A_280 = tpu.memref_slice %arg4[%add3A_271, %dma_wait3A_279] : memref<819200x128xf32, #tpu.memory_space<hbm>> -> memref<128x128xf32, #tpu.memory_space<hbm>>
    %dma_wait3A_281 = arith.constant 0 : i32
    %dma_wait3A_282 = arith.constant 0 : i32
    %dma_wait3A_283 = tpu.memref_slice %arg6[%dma_wait3A_272, %dma_wait3A_281, %dma_wait3A_282] : memref<4x128x128xf32, #tpu.memory_space<vmem>> -> memref<1x128x128xf32, #tpu.memory_space<vmem>>
    %dma_wait3A_284 = tpu.memref_squeeze %dma_wait3A_283 : memref<1x128x128xf32, #tpu.memory_space<vmem>> -> memref<128x128xf32, #tpu.memory_space<vmem>>
    tpu.wait_dma2 semaphore(%arg14 : memref<!tpu.dma_semaphore, #tpu.memory_space<semaphore_mem>>) src(%dma_wait3A_284 : memref<128x128xf32, #tpu.memory_space<vmem>>) dst(%dma_wait3A_280 : memref<128x128xf32, #tpu.memory_space<hbm>>)
    %dma_start3A_285 = arith.constant 199 : i32
    %dma_start3A_286 = arith.constant 3 : i32
    %dma_start3A_287 = arith.constant 0 : i32
    %dma_start3A_288 = arith.constant 0 : i32
    %dma_start3A_289 = tpu.memref_slice %arg6[%dma_start3A_286, %dma_start3A_287, %dma_start3A_288] : memref<4x128x128xf32, #tpu.memory_space<vmem>> -> memref<1x128x128xf32, #tpu.memory_space<vmem>>
    %dma_start3A_290 = tpu.memref_squeeze %dma_start3A_289 : memref<1x128x128xf32, #tpu.memory_space<vmem>> -> memref<128x128xf32, #tpu.memory_space<vmem>>
    %dma_start3A_291 = arith.constant 0 : i32
    %dma_start3A_292 = tpu.memref_slice %arg5[%dma_start3A_285, %dma_start3A_291] : memref<200x128xi32, #tpu.memory_space<vmem>> -> memref<1x128xi32, #tpu.memory_space<vmem>>
    %dma_start3A_293 = tpu.memref_squeeze %dma_start3A_292 : memref<1x128xi32, #tpu.memory_space<vmem>> -> memref<128xi32, #tpu.memory_space<vmem>>
    %dma_start3A_294 = arith.constant 0 : i32
    %dma_start3A_295 = arith.constant 0 : i32
    %dma_start3A_296 = tpu.memref_slice %arg3[%dma_start3A_294, %dma_start3A_295] : memref<100000x128xf32, #tpu.memory_space<hbm>> -> memref<100000x128xf32, #tpu.memory_space<hbm>>
    tpu.enqueue_indirect_dma source(%dma_start3A_296 : memref<100000x128xf32, #tpu.memory_space<hbm>>) target(%dma_start3A_290 : memref<128x128xf32, #tpu.memory_space<vmem>>) offsets(%dma_start3A_293 : memref<128xi32, #tpu.memory_space<vmem>>) semaphore(%arg10 : memref<!tpu.dma_semaphore, #tpu.memory_space<semaphore_mem>>)
    %dma_wait3A_297 = arith.constant 197 : i32
    %dma_wait3A_298 = arith.constant 1 : i32
    %dma_wait3A_299 = arith.constant 0 : i32
    %dma_wait3A_300 = arith.constant 0 : i32
    %dma_wait3A_301 = tpu.memref_slice %arg6[%dma_wait3A_298, %dma_wait3A_299, %dma_wait3A_300] : memref<4x128x128xf32, #tpu.memory_space<vmem>> -> memref<1x128x128xf32, #tpu.memory_space<vmem>>
    %dma_wait3A_302 = tpu.memref_squeeze %dma_wait3A_301 : memref<1x128x128xf32, #tpu.memory_space<vmem>> -> memref<128x128xf32, #tpu.memory_space<vmem>>
    %dma_wait3A_303 = arith.constant 0 : i32
    %dma_wait3A_304 = tpu.memref_slice %arg5[%dma_wait3A_297, %dma_wait3A_303] : memref<200x128xi32, #tpu.memory_space<vmem>> -> memref<1x128xi32, #tpu.memory_space<vmem>>
    %dma_wait3A_305 = tpu.memref_squeeze %dma_wait3A_304 : memref<1x128xi32, #tpu.memory_space<vmem>> -> memref<128xi32, #tpu.memory_space<vmem>>
    %dma_wait3A_306 = arith.constant 0 : i32
    %dma_wait3A_307 = arith.constant 0 : i32
    %dma_wait3A_308 = tpu.memref_slice %arg3[%dma_wait3A_306, %dma_wait3A_307] : memref<100000x128xf32, #tpu.memory_space<hbm>> -> memref<100000x128xf32, #tpu.memory_space<hbm>>
    tpu.wait_indirect_dma semaphore(%arg8 : memref<!tpu.dma_semaphore, #tpu.memory_space<semaphore_mem>>) src(%dma_wait3A_308 : memref<100000x128xf32, #tpu.memory_space<hbm>>) dst(%dma_wait3A_302 : memref<128x128xf32, #tpu.memory_space<vmem>>)
    %add3A_309 = arith.constant 25216 : i32
    %add3A_310 = arith.addi %mul3A_2, %add3A_309 : i32
    %dma_start3A_311 = arith.constant 1 : i32
    %dma_start3A_312 = arith.constant 0 : i32
    %dma_start3A_313 = arith.constant 0 : i32
    %dma_start3A_314 = tpu.memref_slice %arg6[%dma_start3A_311, %dma_start3A_312, %dma_start3A_313] : memref<4x128x128xf32, #tpu.memory_space<vmem>> -> memref<1x128x128xf32, #tpu.memory_space<vmem>>
    %dma_start3A_315 = tpu.memref_squeeze %dma_start3A_314 : memref<1x128x128xf32, #tpu.memory_space<vmem>> -> memref<128x128xf32, #tpu.memory_space<vmem>>
    %dma_start3A_316 = arith.constant 0 : i32
    %dma_start3A_317 = tpu.memref_slice %arg4[%add3A_310, %dma_start3A_316] : memref<819200x128xf32, #tpu.memory_space<hbm>> -> memref<128x128xf32, #tpu.memory_space<hbm>>
    %dma_start3A_318 = arith.constant 0 : i32
    %dma_start3A_319 = tpu.memref_slice %arg4[%add3A_310, %dma_start3A_318] : memref<819200x128xf32, #tpu.memory_space<hbm>> -> memref<128x128xf32, #tpu.memory_space<hbm>>
    %dma_start3A_320 = arith.constant 0 : i32
    %dma_start3A_321 = arith.constant 0 : i32
    %dma_start3A_322 = tpu.memref_slice %arg6[%dma_start3A_311, %dma_start3A_320, %dma_start3A_321] : memref<4x128x128xf32, #tpu.memory_space<vmem>> -> memref<1x128x128xf32, #tpu.memory_space<vmem>>
    %dma_start3A_323 = tpu.memref_squeeze %dma_start3A_322 : memref<1x128x128xf32, #tpu.memory_space<vmem>> -> memref<128x128xf32, #tpu.memory_space<vmem>>
    tpu.enqueue_dma source(%dma_start3A_323 : memref<128x128xf32, #tpu.memory_space<vmem>>) target(%dma_start3A_319 : memref<128x128xf32, #tpu.memory_space<hbm>>) target_semaphore(%arg12 : memref<!tpu.dma_semaphore, #tpu.memory_space<semaphore_mem>>)
    %add3A_324 = arith.constant 25088 : i32
    %add3A_325 = arith.addi %mul3A_2, %add3A_324 : i32
    %dma_wait3A_326 = arith.constant 0 : i32
    %dma_wait3A_327 = arith.constant 0 : i32
    %dma_wait3A_328 = arith.constant 0 : i32
    %dma_wait3A_329 = tpu.memref_slice %arg6[%dma_wait3A_326, %dma_wait3A_327, %dma_wait3A_328] : memref<4x128x128xf32, #tpu.memory_space<vmem>> -> memref<1x128x128xf32, #tpu.memory_space<vmem>>
    %dma_wait3A_330 = tpu.memref_squeeze %dma_wait3A_329 : memref<1x128x128xf32, #tpu.memory_space<vmem>> -> memref<128x128xf32, #tpu.memory_space<vmem>>
    %dma_wait3A_331 = arith.constant 0 : i32
    %dma_wait3A_332 = tpu.memref_slice %arg4[%add3A_325, %dma_wait3A_331] : memref<819200x128xf32, #tpu.memory_space<hbm>> -> memref<128x128xf32, #tpu.memory_space<hbm>>
    %dma_wait3A_333 = arith.constant 0 : i32
    %dma_wait3A_334 = tpu.memref_slice %arg4[%add3A_325, %dma_wait3A_333] : memref<819200x128xf32, #tpu.memory_space<hbm>> -> memref<128x128xf32, #tpu.memory_space<hbm>>
    %dma_wait3A_335 = arith.constant 0 : i32
    %dma_wait3A_336 = arith.constant 0 : i32
    %dma_wait3A_337 = tpu.memref_slice %arg6[%dma_wait3A_326, %dma_wait3A_335, %dma_wait3A_336] : memref<4x128x128xf32, #tpu.memory_space<vmem>> -> memref<1x128x128xf32, #tpu.memory_space<vmem>>
    %dma_wait3A_338 = tpu.memref_squeeze %dma_wait3A_337 : memref<1x128x128xf32, #tpu.memory_space<vmem>> -> memref<128x128xf32, #tpu.memory_space<vmem>>
    tpu.wait_dma2 semaphore(%arg11 : memref<!tpu.dma_semaphore, #tpu.memory_space<semaphore_mem>>) src(%dma_wait3A_338 : memref<128x128xf32, #tpu.memory_space<vmem>>) dst(%dma_wait3A_334 : memref<128x128xf32, #tpu.memory_space<hbm>>)
    %dma_wait3A_339 = arith.constant 198 : i32
    %dma_wait3A_340 = arith.constant 2 : i32
    %dma_wait3A_341 = arith.constant 0 : i32
    %dma_wait3A_342 = arith.constant 0 : i32
    %dma_wait3A_343 = tpu.memref_slice %arg6[%dma_wait3A_340, %dma_wait3A_341, %dma_wait3A_342] : memref<4x128x128xf32, #tpu.memory_space<vmem>> -> memref<1x128x128xf32, #tpu.memory_space<vmem>>
    %dma_wait3A_344 = tpu.memref_squeeze %dma_wait3A_343 : memref<1x128x128xf32, #tpu.memory_space<vmem>> -> memref<128x128xf32, #tpu.memory_space<vmem>>
    %dma_wait3A_345 = arith.constant 0 : i32
    %dma_wait3A_346 = tpu.memref_slice %arg5[%dma_wait3A_339, %dma_wait3A_345] : memref<200x128xi32, #tpu.memory_space<vmem>> -> memref<1x128xi32, #tpu.memory_space<vmem>>
    %dma_wait3A_347 = tpu.memref_squeeze %dma_wait3A_346 : memref<1x128xi32, #tpu.memory_space<vmem>> -> memref<128xi32, #tpu.memory_space<vmem>>
    %dma_wait3A_348 = arith.constant 0 : i32
    %dma_wait3A_349 = arith.constant 0 : i32
    %dma_wait3A_350 = tpu.memref_slice %arg3[%dma_wait3A_348, %dma_wait3A_349] : memref<100000x128xf32, #tpu.memory_space<hbm>> -> memref<100000x128xf32, #tpu.memory_space<hbm>>
    tpu.wait_indirect_dma semaphore(%arg9 : memref<!tpu.dma_semaphore, #tpu.memory_space<semaphore_mem>>) src(%dma_wait3A_350 : memref<100000x128xf32, #tpu.memory_space<hbm>>) dst(%dma_wait3A_344 : memref<128x128xf32, #tpu.memory_space<vmem>>)
    %add3A_351 = arith.constant 25344 : i32
    %add3A_352 = arith.addi %mul3A_2, %add3A_351 : i32
    %dma_start3A_353 = arith.constant 2 : i32
    %dma_start3A_354 = arith.constant 0 : i32
    %dma_start3A_355 = arith.constant 0 : i32
    %dma_start3A_356 = tpu.memref_slice %arg6[%dma_start3A_353, %dma_start3A_354, %dma_start3A_355] : memref<4x128x128xf32, #tpu.memory_space<vmem>> -> memref<1x128x128xf32, #tpu.memory_space<vmem>>
    %dma_start3A_357 = tpu.memref_squeeze %dma_start3A_356 : memref<1x128x128xf32, #tpu.memory_space<vmem>> -> memref<128x128xf32, #tpu.memory_space<vmem>>
    %dma_start3A_358 = arith.constant 0 : i32
    %dma_start3A_359 = tpu.memref_slice %arg4[%add3A_352, %dma_start3A_358] : memref<819200x128xf32, #tpu.memory_space<hbm>> -> memref<128x128xf32, #tpu.memory_space<hbm>>
    %dma_start3A_360 = arith.constant 0 : i32
    %dma_start3A_361 = tpu.memref_slice %arg4[%add3A_352, %dma_start3A_360] : memref<819200x128xf32, #tpu.memory_space<hbm>> -> memref<128x128xf32, #tpu.memory_space<hbm>>
    %dma_start3A_362 = arith.constant 0 : i32
    %dma_start3A_363 = arith.constant 0 : i32
    %dma_start3A_364 = tpu.memref_slice %arg6[%dma_start3A_353, %dma_start3A_362, %dma_start3A_363] : memref<4x128x128xf32, #tpu.memory_space<vmem>> -> memref<1x128x128xf32, #tpu.memory_space<vmem>>
    %dma_start3A_365 = tpu.memref_squeeze %dma_start3A_364 : memref<1x128x128xf32, #tpu.memory_space<vmem>> -> memref<128x128xf32, #tpu.memory_space<vmem>>
    tpu.enqueue_dma source(%dma_start3A_365 : memref<128x128xf32, #tpu.memory_space<vmem>>) target(%dma_start3A_361 : memref<128x128xf32, #tpu.memory_space<hbm>>) target_semaphore(%arg13 : memref<!tpu.dma_semaphore, #tpu.memory_space<semaphore_mem>>)
    %add3A_366 = arith.constant 25216 : i32
    %add3A_367 = arith.addi %mul3A_2, %add3A_366 : i32
    %dma_wait3A_368 = arith.constant 1 : i32
    %dma_wait3A_369 = arith.constant 0 : i32
    %dma_wait3A_370 = arith.constant 0 : i32
    %dma_wait3A_371 = tpu.memref_slice %arg6[%dma_wait3A_368, %dma_wait3A_369, %dma_wait3A_370] : memref<4x128x128xf32, #tpu.memory_space<vmem>> -> memref<1x128x128xf32, #tpu.memory_space<vmem>>
    %dma_wait3A_372 = tpu.memref_squeeze %dma_wait3A_371 : memref<1x128x128xf32, #tpu.memory_space<vmem>> -> memref<128x128xf32, #tpu.memory_space<vmem>>
    %dma_wait3A_373 = arith.constant 0 : i32
    %dma_wait3A_374 = tpu.memref_slice %arg4[%add3A_367, %dma_wait3A_373] : memref<819200x128xf32, #tpu.memory_space<hbm>> -> memref<128x128xf32, #tpu.memory_space<hbm>>
    %dma_wait3A_375 = arith.constant 0 : i32
    %dma_wait3A_376 = tpu.memref_slice %arg4[%add3A_367, %dma_wait3A_375] : memref<819200x128xf32, #tpu.memory_space<hbm>> -> memref<128x128xf32, #tpu.memory_space<hbm>>
    %dma_wait3A_377 = arith.constant 0 : i32
    %dma_wait3A_378 = arith.constant 0 : i32
    %dma_wait3A_379 = tpu.memref_slice %arg6[%dma_wait3A_368, %dma_wait3A_377, %dma_wait3A_378] : memref<4x128x128xf32, #tpu.memory_space<vmem>> -> memref<1x128x128xf32, #tpu.memory_space<vmem>>
    %dma_wait3A_380 = tpu.memref_squeeze %dma_wait3A_379 : memref<1x128x128xf32, #tpu.memory_space<vmem>> -> memref<128x128xf32, #tpu.memory_space<vmem>>
    tpu.wait_dma2 semaphore(%arg12 : memref<!tpu.dma_semaphore, #tpu.memory_space<semaphore_mem>>) src(%dma_wait3A_380 : memref<128x128xf32, #tpu.memory_space<vmem>>) dst(%dma_wait3A_376 : memref<128x128xf32, #tpu.memory_space<hbm>>)
    %dma_wait3A_381 = arith.constant 199 : i32
    %dma_wait3A_382 = arith.constant 3 : i32
    %dma_wait3A_383 = arith.constant 0 : i32
    %dma_wait3A_384 = arith.constant 0 : i32
    %dma_wait3A_385 = tpu.memref_slice %arg6[%dma_wait3A_382, %dma_wait3A_383, %dma_wait3A_384] : memref<4x128x128xf32, #tpu.memory_space<vmem>> -> memref<1x128x128xf32, #tpu.memory_space<vmem>>
    %dma_wait3A_386 = tpu.memref_squeeze %dma_wait3A_385 : memref<1x128x128xf32, #tpu.memory_space<vmem>> -> memref<128x128xf32, #tpu.memory_space<vmem>>
    %dma_wait3A_387 = arith.constant 0 : i32
    %dma_wait3A_388 = tpu.memref_slice %arg5[%dma_wait3A_381, %dma_wait3A_387] : memref<200x128xi32, #tpu.memory_space<vmem>> -> memref<1x128xi32, #tpu.memory_space<vmem>>
    %dma_wait3A_389 = tpu.memref_squeeze %dma_wait3A_388 : memref<1x128xi32, #tpu.memory_space<vmem>> -> memref<128xi32, #tpu.memory_space<vmem>>
    %dma_wait3A_390 = arith.constant 0 : i32
    %dma_wait3A_391 = arith.constant 0 : i32
    %dma_wait3A_392 = tpu.memref_slice %arg3[%dma_wait3A_390, %dma_wait3A_391] : memref<100000x128xf32, #tpu.memory_space<hbm>> -> memref<100000x128xf32, #tpu.memory_space<hbm>>
    tpu.wait_indirect_dma semaphore(%arg10 : memref<!tpu.dma_semaphore, #tpu.memory_space<semaphore_mem>>) src(%dma_wait3A_392 : memref<100000x128xf32, #tpu.memory_space<hbm>>) dst(%dma_wait3A_386 : memref<128x128xf32, #tpu.memory_space<vmem>>)
    %add3A_393 = arith.constant 25472 : i32
    %add3A_394 = arith.addi %mul3A_2, %add3A_393 : i32
    %dma_start3A_395 = arith.constant 3 : i32
    %dma_start3A_396 = arith.constant 0 : i32
    %dma_start3A_397 = arith.constant 0 : i32
    %dma_start3A_398 = tpu.memref_slice %arg6[%dma_start3A_395, %dma_start3A_396, %dma_start3A_397] : memref<4x128x128xf32, #tpu.memory_space<vmem>> -> memref<1x128x128xf32, #tpu.memory_space<vmem>>
    %dma_start3A_399 = tpu.memref_squeeze %dma_start3A_398 : memref<1x128x128xf32, #tpu.memory_space<vmem>> -> memref<128x128xf32, #tpu.memory_space<vmem>>
    %dma_start3A_400 = arith.constant 0 : i32
    %dma_start3A_401 = tpu.memref_slice %arg4[%add3A_394, %dma_start3A_400] : memref<819200x128xf32, #tpu.memory_space<hbm>> -> memref<128x128xf32, #tpu.memory_space<hbm>>
    %dma_start3A_402 = arith.constant 0 : i32
    %dma_start3A_403 = tpu.memref_slice %arg4[%add3A_394, %dma_start3A_402] : memref<819200x128xf32, #tpu.memory_space<hbm>> -> memref<128x128xf32, #tpu.memory_space<hbm>>
    %dma_start3A_404 = arith.constant 0 : i32
    %dma_start3A_405 = arith.constant 0 : i32
    %dma_start3A_406 = tpu.memref_slice %arg6[%dma_start3A_395, %dma_start3A_404, %dma_start3A_405] : memref<4x128x128xf32, #tpu.memory_space<vmem>> -> memref<1x128x128xf32, #tpu.memory_space<vmem>>
    %dma_start3A_407 = tpu.memref_squeeze %dma_start3A_406 : memref<1x128x128xf32, #tpu.memory_space<vmem>> -> memref<128x128xf32, #tpu.memory_space<vmem>>
    tpu.enqueue_dma source(%dma_start3A_407 : memref<128x128xf32, #tpu.memory_space<vmem>>) target(%dma_start3A_403 : memref<128x128xf32, #tpu.memory_space<hbm>>) target_semaphore(%arg14 : memref<!tpu.dma_semaphore, #tpu.memory_space<semaphore_mem>>)
    %add3A_408 = arith.constant 25344 : i32
    %add3A_409 = arith.addi %mul3A_2, %add3A_408 : i32
    %dma_wait3A_410 = arith.constant 2 : i32
    %dma_wait3A_411 = arith.constant 0 : i32
    %dma_wait3A_412 = arith.constant 0 : i32
    %dma_wait3A_413 = tpu.memref_slice %arg6[%dma_wait3A_410, %dma_wait3A_411, %dma_wait3A_412] : memref<4x128x128xf32, #tpu.memory_space<vmem>> -> memref<1x128x128xf32, #tpu.memory_space<vmem>>
    %dma_wait3A_414 = tpu.memref_squeeze %dma_wait3A_413 : memref<1x128x128xf32, #tpu.memory_space<vmem>> -> memref<128x128xf32, #tpu.memory_space<vmem>>
    %dma_wait3A_415 = arith.constant 0 : i32
    %dma_wait3A_416 = tpu.memref_slice %arg4[%add3A_409, %dma_wait3A_415] : memref<819200x128xf32, #tpu.memory_space<hbm>> -> memref<128x128xf32, #tpu.memory_space<hbm>>
    %dma_wait3A_417 = arith.constant 0 : i32
    %dma_wait3A_418 = tpu.memref_slice %arg4[%add3A_409, %dma_wait3A_417] : memref<819200x128xf32, #tpu.memory_space<hbm>> -> memref<128x128xf32, #tpu.memory_space<hbm>>
    %dma_wait3A_419 = arith.constant 0 : i32
    %dma_wait3A_420 = arith.constant 0 : i32
    %dma_wait3A_421 = tpu.memref_slice %arg6[%dma_wait3A_410, %dma_wait3A_419, %dma_wait3A_420] : memref<4x128x128xf32, #tpu.memory_space<vmem>> -> memref<1x128x128xf32, #tpu.memory_space<vmem>>
    %dma_wait3A_422 = tpu.memref_squeeze %dma_wait3A_421 : memref<1x128x128xf32, #tpu.memory_space<vmem>> -> memref<128x128xf32, #tpu.memory_space<vmem>>
    tpu.wait_dma2 semaphore(%arg13 : memref<!tpu.dma_semaphore, #tpu.memory_space<semaphore_mem>>) src(%dma_wait3A_422 : memref<128x128xf32, #tpu.memory_space<vmem>>) dst(%dma_wait3A_418 : memref<128x128xf32, #tpu.memory_space<hbm>>)
    %add3A_423 = arith.constant 25472 : i32
    %add3A_424 = arith.addi %mul3A_2, %add3A_423 : i32
    %dma_wait3A_425 = arith.constant 3 : i32
    %dma_wait3A_426 = arith.constant 0 : i32
    %dma_wait3A_427 = arith.constant 0 : i32
    %dma_wait3A_428 = tpu.memref_slice %arg6[%dma_wait3A_425, %dma_wait3A_426, %dma_wait3A_427] : memref<4x128x128xf32, #tpu.memory_space<vmem>> -> memref<1x128x128xf32, #tpu.memory_space<vmem>>
    %dma_wait3A_429 = tpu.memref_squeeze %dma_wait3A_428 : memref<1x128x128xf32, #tpu.memory_space<vmem>> -> memref<128x128xf32, #tpu.memory_space<vmem>>
    %dma_wait3A_430 = arith.constant 0 : i32
    %dma_wait3A_431 = tpu.memref_slice %arg4[%add3A_424, %dma_wait3A_430] : memref<819200x128xf32, #tpu.memory_space<hbm>> -> memref<128x128xf32, #tpu.memory_space<hbm>>
    %dma_wait3A_432 = arith.constant 0 : i32
    %dma_wait3A_433 = tpu.memref_slice %arg4[%add3A_424, %dma_wait3A_432] : memref<819200x128xf32, #tpu.memory_space<hbm>> -> memref<128x128xf32, #tpu.memory_space<hbm>>
    %dma_wait3A_434 = arith.constant 0 : i32
    %dma_wait3A_435 = arith.constant 0 : i32
    %dma_wait3A_436 = tpu.memref_slice %arg6[%dma_wait3A_425, %dma_wait3A_434, %dma_wait3A_435] : memref<4x128x128xf32, #tpu.memory_space<vmem>> -> memref<1x128x128xf32, #tpu.memory_space<vmem>>
    %dma_wait3A_437 = tpu.memref_squeeze %dma_wait3A_436 : memref<1x128x128xf32, #tpu.memory_space<vmem>> -> memref<128x128xf32, #tpu.memory_space<vmem>>
    tpu.wait_dma2 semaphore(%arg14 : memref<!tpu.dma_semaphore, #tpu.memory_space<semaphore_mem>>) src(%dma_wait3A_437 : memref<128x128xf32, #tpu.memory_space<vmem>>) dst(%dma_wait3A_433 : memref<128x128xf32, #tpu.memory_space<hbm>>)
    return
  }
}

</mosaic_0001>

<sc_bundles>
// kernel: kernel.3.cloned.1.call-start
scs
__scs_entry_jumppad:
0x0: {  	(pc) =	sbr.rel $0x88, $3  }
0x1: {  	(tag) =	ssettag $0x0;
	lr =	simm.s32 $0x1  }
0x2: {  	[smem:$0x3F9F] =	sst lr;
	_ =	strace $0xD0000000  }
0x3: {  	_ = 	snop  }
0x4: {  	_ = 	snop  }
0x5: {  	_ = 	snop  }
0x6: {  	_ = 	snop  }
0x7: {  	_ = 	snop  }
__scs_overlays_trampoline_lowered:
0x8: {  	[smem:$0x3FAE] =	sst s0  }
0x9: {  	[smem:$0x3FAF] =	sst s1  }
0xa: {  	[smem:$0x3FB0] =	sst s2  }
0xb: {  	[smem:$0x3FB1] =	sst s3  }
0xc: {  	[smem:$0x3FB2] =	sst s4  }
0xd: {  	[smem:$0x3FB3] =	sst s5  }
0xe: {  	[smem:$0x3FB4] =	sst s6  }
0xf: {  	[smem:$0x3FB5] =	sst s7  }
0x10: {  	[smem:$0x3FB6] =	sst s8  }
0x11: {  	[smem:$0x3FB7] =	sst s9;
	s0 =	simm.s32 @!p0 $0x0  }
0x12: {  	s1 =	sld [smem:$0x3F9D];
	s0 =	simm.s32 @p0 $0x1  }
0x13: {  	[smem:$0x3FB8] =	sst s0;
	s0 =	simm.s32 @!p1 $0x0  }
0x14: {  	s2 =	sld [smem:$0x3F9C];
	s0 =	simm.s32 @p1 $0x1  }
0x15: {  	[smem:$0x3FB9] =	sst s0;
	s0 =	simm.s32 @!p2 $0x0  }
0x16: {  	s3 =	sld [smem:$0x3FDB];
	s0 =	simm.s32 @p2 $0x1  }
0x17: {  	s4 =	simm.s32 $0x1BF5;
	[smem:$0x3FBB] =	sst s0  }
0x18: {  	s0 =	sld [smem:$0x3F9E];
	_ =	swait.ge [sflag:s4], $0x0  }
0x19: {  	s7 =	sld [smem:$0x3F9F]  }
0x1a: {  	s8 =	sadd.s32 $0xFFFFE003, lr  }
0x1b: {  	s9 =	sadd.s32 $0xFFFFFEF7, lr;
	s5 =	simm.s32 $0xFFFFFFFF;
	p2 =	slt.u32 s8, $0xFFFFF086  }
0x1c: {  	p1 =	slt.u32 s9, $0xF7A;
	s5 =	simm.s32 @!p2 $0x0  }
0x1d: {  	s5 =	simm.s32 @p1 $0x1;
	p0 =	seq.s32 s7, s2  }
0x1e: {  	s7 =	smul.u32 @!p0 $0xF7A, s2;
	p2 =	seq.s32 @!p0 s5, $0x0  }
0x1f: {  	s9 =	smul.u32 $0xF7A, s1;
	s8 =	simm.s32 @!p0 $0x1BF5;
	p2 =	por !p2, p0  }
0x20: {  	[sflag:s8] =	ssyncset.s32 @!p0 $0xFFFFF086;
	s6 =	sadd.s32 @!p0 s3, s7;
	s7 =	simm.s32 @!p0 $0x108  }
0x21: {  	s3 =	sadd.s32 s3, s9;
	s6 =	sadd.s32 @!p0 $0x88, s6;
	s7 =	simm.s32 @p2 $0x1082  }
0x22: {  	[simem:s7], [sflag:s8] =	dma.local @!p0 [hbm:s6], $0xF7A  }
0x23: {  	s9 =	sor.u32 $0xD0000000, s2;
	s6 =	simm.s32 $0x108;
	_ =	swait.ge @!p0 [sflag:s8], $0x0  }
0x24: {  	s3 =	sadd.s32 $0x88, s3;
	s6 =	simm.s32 @!p1 $0x1082;
	[sflag:s4] =	ssyncset.s32 $0xFFFFF086  }
0x25: {  	[simem:s6], [sflag:s4] =	dma.local [hbm:s3], $0xF7A  }
0x26: {  	[smem:$0x3F9F] =	sst s1;
	(tag) =	ssettag s2;
	_ =	strace s9  }
0x27: {  	s1 =	sld [smem:$0x3FAF]  }
0x28: {  	s2 =	sld [smem:$0x3FB0]  }
0x29: {  	s4 =	sld [smem:$0x3FB2]  }
0x2a: {  	p0 =	seq.s32 s5, $0x0;
	s5 =	sld [smem:$0x3FB3]  }
0x2b: {  	s6 =	sld [smem:$0x3FB4]  }
0x2c: {  	s7 =	sld [smem:$0x3FB5]  }
0x2d: {  	s3 =	simm.s32 $0x108;
	s8 =	sld [smem:$0x3FB6]  }
0x2e: {  	s3 =	simm.s32 @!p0 $0x1082;
	s9 =	sld [smem:$0x3FB7]  }
0x2f: {  	lr =	sadd.s32 s0, s3;
	s0 =	sld [smem:$0x3FAE]  }
0x30: {  	s3 =	sld [smem:$0x3FB1]  }
0x31: {  	[smem:$0x3FBA] =	sst s10  }
0x32: {  	s10 =	sld [smem:$0x3FB8];
	_ =	sdelay $0x3  }
0x33: {  	p0 =	seq.s32 s10, $0x1;
	s10 =	sld [smem:$0x3FBA];
	_ =	sdelay $0x3  }
0x34: {  	[smem:$0x3FBA] =	sst s10  }
0x35: {  	s10 =	sld [smem:$0x3FB9];
	_ =	sdelay $0x3  }
0x36: {  	p1 =	seq.s32 s10, $0x1;
	s10 =	sld [smem:$0x3FBA];
	_ =	sdelay $0x3  }
0x37: {  	[smem:$0x3FBA] =	sst s10  }
0x38: {  	s10 =	sld [smem:$0x3FBB]  }
0x39: {  	_ = 	snop;
	(pc) =	sbr.ind lr, $3  }
0x3a: {  	_ = 	snop  }
0x3b: {  	_ = 	snop  }
0x3c: {  	p2 =	seq.s32 s10, $0x1;
	s10 =	sld [smem:$0x3FBA]  }
0x3d: {  	_ =	shalt  }
0x3e: {  	_ =	shalt  }
0x3f: {  	_ =	shalt  }
0x40: {  	_ =	shalt  }
0x41: {  	_ =	shalt  }
0x42: {  	_ =	shalt  }
0x43: {  	_ =	shalt  }
0x44: {  	_ =	shalt  }
0x45: {  	_ =	shalt  }
0x46: {  	_ =	shalt  }
0x47: {  	_ =	shalt  }
0x48: {  	_ =	shalt  }
0x49: {  	_ =	shalt  }
0x4a: {  	_ =	shalt  }
0x4b: {  	_ =	shalt  }
0x4c: {  	_ =	shalt  }
0x4d: {  	_ =	shalt  }
0x4e: {  	_ =	shalt  }
0x4f: {  	_ =	shalt  }
0x50: {  	_ =	shalt  }
0x51: {  	_ =	shalt  }
0x52: {  	_ =	shalt  }
0x53: {  	_ =	shalt  }
0x54: {  	_ =	shalt  }
0x55: {  	_ =	shalt  }
0x56: {  	_ =	shalt  }
0x57: {  	_ =	shalt  }
0x58: {  	_ =	shalt  }
0x59: {  	_ =	shalt  }
0x5a: {  	_ =	shalt  }
0x5b: {  	_ =	shalt  }
0x5c: {  	_ =	shalt  }
0x5d: {  	_ =	shalt  }
0x5e: {  	_ =	shalt  }
0x5f: {  	_ =	shalt  }
0x60: {  	_ =	shalt  }
0x61: {  	_ =	shalt  }
0x62: {  	_ =	shalt  }
0x63: {  	_ =	shalt  }
0x64: {  	_ =	shalt  }
0x65: {  	_ =	shalt  }
0x66: {  	_ =	shalt  }
0x67: {  	_ =	shalt  }
0x68: {  	_ =	shalt  }
0x69: {  	_ =	shalt  }
0x6a: {  	_ =	shalt  }
0x6b: {  	_ =	shalt  }
0x6c: {  	_ =	shalt  }
0x6d: {  	_ =	shalt  }
0x6e: {  	_ =	shalt  }
0x6f: {  	_ =	shalt  }
0x70: {  	_ =	shalt  }
0x71: {  	_ =	shalt  }
0x72: {  	_ =	shalt  }
0x73: {  	_ =	shalt  }
0x74: {  	_ =	shalt  }
0x75: {  	_ =	shalt  }
0x76: {  	_ =	shalt  }
0x77: {  	_ =	shalt  }
0x78: {  	_ =	shalt  }
0x79: {  	_ =	shalt  }
0x7a: {  	_ =	shalt  }
0x7b: {  	_ =	shalt  }
0x7c: {  	_ =	shalt  }
0x7d: {  	_ =	shalt  }
0x7e: {  	_ =	shalt  }
0x7f: {  	_ =	shalt  }
0x80: {  	_ =	shalt  }
0x81: {  	_ =	shalt  }
0x82: {  	_ =	shalt  }
0x83: {  	_ =	shalt  }
0x84: {  	_ =	shalt  }
0x85: {  	_ =	shalt  }
0x86: {  	_ =	shalt  }
0x87: {  	_ =	shalt  }
.Lfunc_end0:
.L_simem_size_0:
called_computation_lowered:
.L_overlay_start_0:
0x88: {  	s2 =	sld [smem:$0x3FD9]  }
0x89: {  	s3 =	sld [smem:$0x3FFE];
	_ =	sdelay $0x1  }
0x8a: {  	s1 =	srdreg.scid  }
0x8b: {  	s0 =	sand.u32 $0x1, s1  }
0x8c: {  	s17 =	sshll.u32 s0, $0xA;
	s2 =	sadd.s32 s3, s2  }
0x8d: {  	s2 =	sadd.s32 s2, s17  }
0x8e: {  	[smem:$0x3FC6] =	sst s2  }
0x8f: {  	_ = 	snop  }
0x90: {  	s2 =	sld [smem:$0x3FC8]  }
0x91: {  	s18 =	sld [smem:$0x3FD0];
	(tm) =	ssettm $0x1  }
0x92: {  	s4 =	sld [smem:$0x3FFB];
	_ =	sdelay $0x3  }
0x93: {  	_ =	strace s4  }
0x94: {  	s4 =	sld [smem:$0x3FFC];
	_ =	sdelay $0x3  }
0x95: {  	_ =	strace s4  }
0x96: {  	s4 =	sld [smem:$0x3FFD];
	_ =	sdelay $0x3  }
0x97: {  	_ =	strace s4  }
0x98: {  	_ =	strace $0x8FFFFFFF  }
0x99: {  	s19 =	sld [smem:$0x3FDB];
	_ =	sdelay $0x1  }
0x9a: {  	s5 =	simm.s32 $_scs_section_size  }
0x9b: {  	s6 =	simm.s32 $_size__tile_overlayer_lowered;
	s7 =	simm.s32 $_tile_overlayer_lowered  }
0x9c: {  	s22 =	simm.s32 $0x1BFF;
	s21 =	sshll.u32 s7, $0x1;
	s4 =	sadd.s32 s5, s19  }
0x9d: {  	s8 =	simm.s32 $0x0;
	s20 =	sshll.u32 s6, $0x1;
	s6 =	sadd.s32 s21, s4  }
0x9e: {  	[timem:s8], [sflag:s22] =	dma.local [hbm:s6], s20  }
0x9f: {  	_ =	swait.ge [sflag:s22], s20  }
0xa0: {  	s5 =	ssub.s32 $0x0, s20;
	[sflag:s22] =	ssyncset.done $0x0  }
0xa1: {  	[sflag:s22] =	ssyncadd.s32 s5;
	_ =	sdelay $0x1  }
0xa2: {  	s23 =	simm.s32 $0x1B8B  }
0xa3: {  	_ =	swait.ge [sflag:s23], $0x1  }
0xa4: {  	[sflag:s23] =	ssyncset.done $0x0  }
0xa5: {  	s25 =	simm.s32 $0x1B8E;
	s24 =	sld [smem:$0x3FFE];
	[sflag:s23] =	ssyncadd.s32 $0xFFFFFFFF  }
0xa6: {  	s26 =	simm.s32 $execute0_lowered;
	[smem:$0x3FD2] =	sst s25  }
0xa7: {  	s6 =	sshll.u32 s26, $0x1;
	_ =	strace $0x80000046;
	[dreg:$0x1] =	wrdreg $0xFFFFFFFF  }
0xa8: {  	s28 =	simm.s32 $_size_execute0_lowered;
	s4 =	sadd.s32 s4, s6;
	[dreg:$0x0] =	wrdreg $0x0  }
0xa9: {  	s6 =	sshll.u32 s28, $0x1;
	[dreg:$0x2] =	wrdreg s4  }
0xaa: {  	[dreg:$0x3] =	wrdreg s6  }
0xab: {  	[dreg:$0x4] =	wrdreg $0xC0  }
0xac: {  	_ =	task [dreg:s8], $0x5FFFF  }
0xad: {  	[dreg:$0x1] =	wrdreg $0xFFFFFFFF  }
0xae: {  	[dreg:$0x0] =	wrdreg $0x60  }
0xaf: {  	[dreg:$0x2] =	wrdreg s24  }
0xb0: {  	[dreg:$0x3] =	wrdreg s2  }
0xb1: {  	[dreg:$0x4] =	wrdreg s18  }
0xb2: {  	[dreg:$0x5] =	wrdreg $0x9  }
0xb3: {  	_ =	task.clear_ibuf [dreg:s8], $0x6FFFF;
	_ =	strace $0x90000046  }
0xb4: {  	s29 =	simm.s32 $0x9;
	_ =	strace $0x80000048  }
0xb5: {  	_ =	swait.ge [sflag:s29], $0x1  }
0xb6: {  	[sflag:s29] =	ssyncadd.s32 $0xFFFFFFFF  }
0xb7: {  	_ =	strace $0x90000048  }
0xb8: {  	_ =	sfence  }
0xb9: {  	s30 =	sld [smem:$0x0];
	_ =	sdelay $0x2  }
0xba: {  	s31 =	sshll.u32 s1, $0xD;
	s1 =	sshrl.u32 s1, $0x2  }
0xbb: {  	s3 =	sand.u32 $0x4000, s31;
	s1 =	sadd.s32 s1, s30  }
0xbc: {  	s0 =	sor.u32 s3, s0;
	s1 =	sshll.u32 s1, $0x11  }
0xbd: {  	s0 =	sor.u32 s1, s0  }
0xbe: {  	s0 =	sadd.s32 $0x8F2B, s0  }
0xbf: {  	[sflag:s0] =	ssyncadd.remote.s32 $0x1  }
0xc0: {  	_ =	sfence.sel $0xFFFF  }
0xc1: {  	[dreg:$0x0] =	wrdreg $0xFFFFFFFF;
	(pc) =	sbr.abs _section_cstart, $3  }
0xc2: {  	[dreg:$0x1] =	wrdreg $0xFFFFFFFF  }
0xc3: {  	_ =	task.clear_ibuf [dreg:s8], $0x2FFFF;
	_ =	strace $0x9FFFFFFF  }
0xc4: {  	(tm) =	ssettm $0x7FFFFFFF  }
0xc5: {  	_ =	shalt  }
tec
execute0_lowered:
.L_overlay_start_1:
0x0: {  	(tag) =	ssettag $0x1  }
0x1: {  	s0 =	rddreg [dreg:$0x0];
	s1 =	srdreg.scid  }
0x2: {  	s14 =	stileid.u32;
	s2 =	rddreg [dreg:$0x1]  }
0x3: {  	s4 =	rddreg [dreg:$0x2];
	s16 =	simm.s32 $0x9;
	s17 =	simm.s32 $0x80  }
0x4: {  	s18 =	simm.s32 $0x6400;
	s19 =	simm.s32 $0xA400;
	s21 =	simm.s32 $0xE400  }
0x5: {  	s22 =	simm.s32 $0x1;
	s29 =	simm.s32 $0x3;
	s11 =	smul.u32 $0x640000, s14  }
0x6: {  	s1 =	sand.u32 $0x1, s1;
	s3 =	sshll.u32 s14, $0x1;
	s14 =	smul.u32 $0xC8000, s14  }
0x7: {  	s30 =	simm.s32 $0x6;
	s20 =	simm.s32 $0x8;
	s12 =	smul.u32 $0x320000, s1  }
0x8: {  	s5 =	sor.u32 s1, s3;
	s7 =	ssub.s32 $0x2, s1;
	s1 =	smul.u32 $0x64000, s1  }
0x9: {  	s31 =	simm.s32 $0x0;
	s3 =	simm.s32 $0x0;
	s6 =	smul.u32 $0x6400, s5  }
0xa: {  	[smem:$0x7FF] =	sst s3;
	s8 =	smul.u32 $0x64000, s5;
	s23 =	sshrl.u32 s7, $0x1  }
0xb: {  	s9 =	smul.u32 $0x320000, s5;
	s28 =	sadd.s32 s14, s4;
	_ =	strace $0x80000047  }
0xc: {  	s13 =	ssub.s32 s7, s23;
	s12 =	sadd.s32 s12, s11;
	s6 =	sshrl.u32 s6, $0x3  }
0xd: {  	s5 =	sadd.s32 s4, s8;
	s24 =	sshrl.u32 s9, $0x3;
	s15 =	sor.u32 $0x10000, s12  }
0xe: {  	s13 =	smax.u32 s13, $0x1;
	s0 =	sadd.s32 s6, s0;
	s25 =	sadd.s32 $0x800, s5  }
0xf: {  	s7 =	sadd.s32 $0x1000, s5;
	s8 =	sadd.s32 $0x1800, s5;
	s26 =	sshrl.u32 s15, $0x3  }
0x10: {  	s15 =	sadd.s32 s1, s28;
	s1 =	simm.s32 $0x4;
	s0 =	sadd.s32 $0x400, s0  }
0x11: {  	[dreg:$0x5] =	wrdreg s25;
	s14 =	sadd.s32 s26, s4;
	s25 =	simm.s32 $0x2  }
0x12: {  	s26 =	simm.s32 $0x5;
	[dreg:$0x4] =	wrdreg s0;
	s0 =	sadd.s32 s4, s24  }
0x13: {  	s24 =	simm.s32 $0x12400;
	s9 =	sadd.s32 $0x62000, s0;
	s10 =	sadd.s32 $0x62800, s0  }
0x14: {  	s11 =	sadd.s32 $0x63000, s0;
	s12 =	sadd.s32 $0x63800, s0;
	s0 =	simm.s32 $0x7  }
.LBB2_1:
0x15: {  	s4 =	rddreg [dreg:$0x4]  }
0x16: {  	[tilespmem:s3], [sflag:$0x9] =	stream.linear.gather [hbm4b:s4+s3], $0x6400, $0x38;
	[tilespmem:$0x16400] =	vst v63  }
0x17: {  	_ =	swait.ge [sflag:s16], $0x6400  }
0x18: {  	[sflag:s16] =	ssyncset.done $0x0  }
0x19: {  	[sflag:s16] =	ssyncadd.s32 $0xFFFF9C00  }
0x1a: {  	[tilespmem:s18], [sflag:$0x1] =	stream.indirect.gather [hbm4b:s2+s17], $0x80, s3, s17, $0xb8;
	[tilespmem:$0x16400] =	vst v63  }
0x1b: {  	_ = 	snop  }
0x1c: {  	[tilespmem:s19], [sflag:$0x2] =	stream.indirect.gather [hbm4b:s2+s17], $0x80, s17, s17, $0xb8;
	[tilespmem:$0x16400] =	vst v63  }
0x1d: {  	s6 =	simm.s32 $0x100  }
0x1e: {  	[tilespmem:s21], [sflag:$0x3] =	stream.indirect.gather [hbm4b:s2+s17], $0x80, s6, s17, $0xb8;
	[tilespmem:$0x16400] =	vst v63  }
0x1f: {  	_ =	swait.ge [sflag:s22], $0x4000  }
0x20: {  	[sflag:s22] =	ssyncset.done $0x0  }
0x21: {  	[sflag:s22] =	ssyncadd.s32 $0xFFFFC000  }
0x22: {  	[hbm4b:s5+s3] =	stream.linear.scatter [tilespmem:s18], [sflag:$0x5], $0x4000, $0x38;
	[tilespmem:$0x16400] =	vst v63  }
0x23: {  	s23 =	simm.s32 $0x180  }
0x24: {  	[tilespmem:s24], [sflag:$0x4] =	stream.indirect.gather [hbm4b:s2+s17], $0x80, s23, s17, $0xb8;
	[tilespmem:$0x16400] =	vst v63  }
0x25: {  	_ =	swait.ge [sflag:s25], $0x4000  }
0x26: {  	[sflag:s25] =	ssyncset.done $0x0  }
0x27: {  	s6 =	rddreg [dreg:$0x5];
	[sflag:s25] =	ssyncadd.s32 $0xFFFFC000  }
0x28: {  	[hbm4b:s6+s3] =	stream.linear.scatter [tilespmem:s19], [sflag:$0x6], $0x4000, $0x38;
	[tilespmem:$0x16400] =	vst v63  }
0x29: {  	_ =	swait.ge [sflag:s26], $0x4000  }
0x2a: {  	[sflag:s26] =	ssyncset.done $0x0  }
0x2b: {  	s23 =	simm.s32 $0x200;
	[sflag:s26] =	ssyncadd.s32 $0xFFFFC000  }
0x2c: {  	[tilespmem:s18], [sflag:$0x1] =	stream.indirect.gather [hbm4b:s2+s17], $0x80, s23, s17, $0xb8;
	[tilespmem:$0x16400] =	vst v63  }
0x2d: {  	_ =	swait.ge [sflag:s29], $0x4000  }
0x2e: {  	[sflag:s29] =	ssyncset.done $0x0  }
0x2f: {  	[sflag:s29] =	ssyncadd.s32 $0xFFFFC000  }
0x30: {  	[hbm4b:s7+s3] =	stream.linear.scatter [tilespmem:s21], [sflag:$0x7], $0x4000, $0x38;
	[tilespmem:$0x16400] =	vst v63  }
0x31: {  	_ =	swait.ge [sflag:s30], $0x4000  }
0x32: {  	[sflag:s30] =	ssyncset.done $0x0  }
0x33: {  	s6 =	simm.s32 $0x280;
	[sflag:s30] =	ssyncadd.s32 $0xFFFFC000  }
0x34: {  	[tilespmem:s19], [sflag:$0x2] =	stream.indirect.gather [hbm4b:s2+s17], $0x80, s6, s17, $0xb8;
	[tilespmem:$0x16400] =	vst v63  }
0x35: {  	_ =	swait.ge [sflag:s1], $0x4000  }
0x36: {  	[sflag:s1] =	ssyncset.done $0x0  }
0x37: {  	[sflag:s1] =	ssyncadd.s32 $0xFFFFC000  }
0x38: {  	[hbm4b:s8+s3] =	stream.linear.scatter [tilespmem:s24], [sflag:$0x8], $0x4000, $0x38;
	[tilespmem:$0x16400] =	vst v63  }
0x39: {  	_ =	swait.ge [sflag:s0], $0x4000  }
0x3a: {  	[sflag:s0] =	ssyncset.done $0x0  }
0x3b: {  	s23 =	simm.s32 $0x300;
	[sflag:s0] =	ssyncadd.s32 $0xFFFFC000  }
0x3c: {  	[tilespmem:s21], [sflag:$0x3] =	stream.indirect.gather [hbm4b:s2+s17], $0x80, s23, s17, $0xb8;
	[tilespmem:$0x16400] =	vst v63  }
0x3d: {  	_ =	swait.ge [sflag:s22], $0x4000  }
0x3e: {  	[sflag:s22] =	ssyncset.done $0x0  }
0x3f: {  	s6 =	sadd.s32 $0x0, s14;
	[sflag:s22] =	ssyncadd.s32 $0xFFFFC000  }
0x40: {  	[hbm4b:s6+s3] =	stream.linear.scatter [tilespmem:s18], [sflag:$0x5], $0x4000, $0x38;
	[tilespmem:$0x16400] =	vst v63  }
0x41: {  	_ =	swait.ge [sflag:s20], $0x4000  }
0x42: {  	[sflag:s20] =	ssyncset.done $0x0  }
0x43: {  	s23 =	simm.s32 $0x380;
	[sflag:s20] =	ssyncadd.s32 $0xFFFFC000  }
0x44: {  	[tilespmem:s24], [sflag:$0x4] =	stream.indirect.gather [hbm4b:s2+s17], $0x80, s23, s17, $0xb8;
	[tilespmem:$0x16400] =	vst v63  }
0x45: {  	_ =	swait.ge [sflag:s25], $0x4000  }
0x46: {  	s4 =	sadd.s32 $0x0, s15;
	[sflag:s25] =	ssyncset.done $0x0  }
0x47: {  	s23 =	sadd.s32 $0x2800, s4;
	[sflag:s25] =	ssyncadd.s32 $0xFFFFC000  }
0x48: {  	[hbm4b:s23+s3] =	stream.linear.scatter [tilespmem:s19], [sflag:$0x6], $0x4000, $0x38;
	[tilespmem:$0x16400] =	vst v63  }
0x49: {  	_ =	swait.ge [sflag:s26], $0x4000  }
0x4a: {  	[sflag:s26] =	ssyncset.done $0x0  }
0x4b: {  	s6 =	simm.s32 $0x400;
	[sflag:s26] =	ssyncadd.s32 $0xFFFFC000  }
0x4c: {  	[tilespmem:s18], [sflag:$0x1] =	stream.indirect.gather [hbm4b:s2+s17], $0x80, s6, s17, $0xb8;
	[tilespmem:$0x16400] =	vst v63  }
0x4d: {  	_ =	swait.ge [sflag:s29], $0x4000  }
0x4e: {  	[sflag:s29] =	ssyncset.done $0x0  }
0x4f: {  	s6 =	sadd.s32 $0x3000, s4;
	[sflag:s29] =	ssyncadd.s32 $0xFFFFC000  }
0x50: {  	[hbm4b:s6+s3] =	stream.linear.scatter [tilespmem:s21], [sflag:$0x7], $0x4000, $0x38;
	[tilespmem:$0x16400] =	vst v63  }
0x51: {  	_ =	swait.ge [sflag:s30], $0x4000  }
0x52: {  	[sflag:s30] =	ssyncset.done $0x0  }
0x53: {  	s6 =	simm.s32 $0x480;
	[sflag:s30] =	ssyncadd.s32 $0xFFFFC000  }
0x54: {  	[tilespmem:s19], [sflag:$0x2] =	stream.indirect.gather [hbm4b:s2+s17], $0x80, s6, s17, $0xb8;
	[tilespmem:$0x16400] =	vst v63  }
0x55: {  	_ =	swait.ge [sflag:s1], $0x4000  }
0x56: {  	s28 =	simm.s32 $0x680;
	[sflag:s1] =	ssyncset.done $0x0  }
0x57: {  	s23 =	simm.s32 $0x2000;
	s4 =	sadd.s32 $0x3800, s4;
	[sflag:s1] =	ssyncadd.s32 $0xFFFFC000  }
.LBB2_2:
0x58: {  	[hbm4b:s4+s3] =	stream.linear.scatter [tilespmem:s24], [sflag:$0x8], $0x4000, $0x38;
	[tilespmem:$0x16400] =	vst v63  }
0x59: {  	s4 =	smov.u32 s23  }
0x5a: {  	p0 =	sne.s32 s23, $0x5E000;
	s23 =	sadd.s32 $0x2000, s23;
	_ =	swait.ge [sflag:s0], $0x4000  }
0x5b: {  	[sflag:s0] =	ssyncset.done $0x0  }
0x5c: {  	s6 =	sadd.s32 $0xFFFFFE80, s28;
	[sflag:s0] =	ssyncadd.s32 $0xFFFFC000  }
0x5d: {  	[tilespmem:s21], [sflag:$0x3] =	stream.indirect.gather [hbm4b:s2+s17], $0x80, s6, s17, $0xb8;
	[tilespmem:$0x16400] =	vst v63  }
0x5e: {  	_ =	swait.ge [sflag:s22], $0x4000  }
0x5f: {  	[sflag:s22] =	ssyncset.done $0x0  }
0x60: {  	s6 =	sadd.s32 s4, s14;
	[sflag:s22] =	ssyncadd.s32 $0xFFFFC000  }
0x61: {  	[hbm4b:s6+s3] =	stream.linear.scatter [tilespmem:s18], [sflag:$0x5], $0x4000, $0x38;
	[tilespmem:$0x16400] =	vst v63  }
0x62: {  	_ =	swait.ge [sflag:s20], $0x4000  }
0x63: {  	[sflag:s20] =	ssyncset.done $0x0  }
0x64: {  	s6 =	sadd.s32 $0xFFFFFF00, s28;
	[sflag:s20] =	ssyncadd.s32 $0xFFFFC000  }
0x65: {  	[tilespmem:s24], [sflag:$0x4] =	stream.indirect.gather [hbm4b:s2+s17], $0x80, s6, s17, $0xb8;
	[tilespmem:$0x16400] =	vst v63  }
0x66: {  	_ =	swait.ge [sflag:s25], $0x4000  }
0x67: {  	s4 =	sadd.s32 s4, s15;
	[sflag:s25] =	ssyncset.done $0x0  }
0x68: {  	s6 =	sadd.s32 $0x2800, s4;
	[sflag:s25] =	ssyncadd.s32 $0xFFFFC000  }
0x69: {  	[hbm4b:s6+s3] =	stream.linear.scatter [tilespmem:s19], [sflag:$0x6], $0x4000, $0x38;
	[tilespmem:$0x16400] =	vst v63  }
0x6a: {  	_ =	swait.ge [sflag:s26], $0x4000  }
0x6b: {  	[sflag:s26] =	ssyncset.done $0x0  }
0x6c: {  	s6 =	sadd.s32 $0xFFFFFF80, s28;
	[sflag:s26] =	ssyncadd.s32 $0xFFFFC000  }
0x6d: {  	[tilespmem:s18], [sflag:$0x1] =	stream.indirect.gather [hbm4b:s2+s17], $0x80, s6, s17, $0xb8;
	[tilespmem:$0x16400] =	vst v63  }
0x6e: {  	_ =	swait.ge [sflag:s29], $0x4000  }
0x6f: {  	[sflag:s29] =	ssyncset.done $0x0  }
0x70: {  	s6 =	sadd.s32 $0x3000, s4;
	[sflag:s29] =	ssyncadd.s32 $0xFFFFC000  }
0x71: {  	[hbm4b:s6+s3] =	stream.linear.scatter [tilespmem:s21], [sflag:$0x7], $0x4000, $0x38;
	[tilespmem:$0x16400] =	vst v63  }
0x72: {  	_ =	swait.ge [sflag:s30], $0x4000  }
0x73: {  	[sflag:s30] =	ssyncset.done $0x0  }
.Ltmp0:
0x74: {  	[sflag:s30] =	ssyncadd.s32 $0xFFFFC000;
	(pc) =	sbr.rel @p0 .LBB2_2-.Ltmp0, $4  }
0x75: {  	[tilespmem:s19], [sflag:$0x2] =	stream.indirect.gather [hbm4b:s2+s17], $0x80, s28, s17, $0xb8;
	[tilespmem:$0x16400] =	vst v63  }
0x76: {  	_ =	swait.ge [sflag:s1], $0x4000  }
0x77: {  	[sflag:s1] =	ssyncset.done $0x0  }
0x78: {  	s4 =	sadd.s32 $0x3800, s4;
	s28 =	sadd.s32 $0x200, s28;
	[sflag:s1] =	ssyncadd.s32 $0xFFFFC000  }
0x79: {  	[hbm4b:s4+s3] =	stream.linear.scatter [tilespmem:s24], [sflag:$0x8], $0x4000, $0x38;
	[tilespmem:$0x16400] =	vst v63  }
0x7a: {  	_ =	swait.ge [sflag:s0], $0x4000  }
0x7b: {  	[sflag:s0] =	ssyncset.done $0x0  }
0x7c: {  	s23 =	simm.s32 $0x6300;
	[sflag:s0] =	ssyncadd.s32 $0xFFFFC000  }
0x7d: {  	[tilespmem:s21], [sflag:$0x3] =	stream.indirect.gather [hbm4b:s2+s17], $0x80, s23, s17, $0xb8;
	[tilespmem:$0x16400] =	vst v63  }
0x7e: {  	_ =	swait.ge [sflag:s22], $0x4000  }
0x7f: {  	[sflag:s22] =	ssyncset.done $0x0  }
0x80: {  	[sflag:s22] =	ssyncadd.s32 $0xFFFFC000  }
0x81: {  	[hbm4b:s9+s3] =	stream.linear.scatter [tilespmem:s18], [sflag:$0x5], $0x4000, $0x38;
	[tilespmem:$0x16400] =	vst v63  }
0x82: {  	_ =	swait.ge [sflag:s20], $0x4000  }
0x83: {  	[sflag:s20] =	ssyncset.done $0x0  }
0x84: {  	s28 =	simm.s32 $0x6380;
	[sflag:s20] =	ssyncadd.s32 $0xFFFFC000  }
0x85: {  	[tilespmem:s24], [sflag:$0x4] =	stream.indirect.gather [hbm4b:s2+s17], $0x80, s28, s17, $0xb8;
	[tilespmem:$0x16400] =	vst v63  }
0x86: {  	_ =	swait.ge [sflag:s25], $0x4000  }
0x87: {  	[sflag:s25] =	ssyncset.done $0x0  }
0x88: {  	[sflag:s25] =	ssyncadd.s32 $0xFFFFC000  }
0x89: {  	[hbm4b:s10+s3] =	stream.linear.scatter [tilespmem:s19], [sflag:$0x6], $0x4000, $0x38;
	[tilespmem:$0x16400] =	vst v63  }
0x8a: {  	_ =	swait.ge [sflag:s26], $0x4000  }
0x8b: {  	[sflag:s26] =	ssyncset.done $0x0  }
0x8c: {  	[sflag:s26] =	ssyncadd.s32 $0xFFFFC000  }
0x8d: {  	_ =	swait.ge [sflag:s29], $0x4000  }
0x8e: {  	[sflag:s29] =	ssyncset.done $0x0  }
0x8f: {  	[sflag:s29] =	ssyncadd.s32 $0xFFFFC000  }
0x90: {  	[hbm4b:s11+s3] =	stream.linear.scatter [tilespmem:s21], [sflag:$0x7], $0x4000, $0x38;
	[tilespmem:$0x16400] =	vst v63  }
0x91: {  	_ =	swait.ge [sflag:s30], $0x4000  }
0x92: {  	[sflag:s30] =	ssyncset.done $0x0  }
0x93: {  	[sflag:s30] =	ssyncadd.s32 $0xFFFFC000  }
0x94: {  	_ =	swait.ge [sflag:s1], $0x4000  }
0x95: {  	[sflag:s1] =	ssyncset.done $0x0  }
0x96: {  	s31 =	sadd.s32 $0x1, s31;
	[sflag:s1] =	ssyncadd.s32 $0xFFFFC000  }
0x97: {  	[hbm4b:s12+s3] =	stream.linear.scatter [tilespmem:s24], [sflag:$0x8], $0x4000, $0x38;
	[tilespmem:$0x16400] =	vst v63  }
0x98: {  	p0 =	sne.s32 s31, s13;
	_ =	swait.ge [sflag:s0], $0x4000  }
.Ltmp1:
0x99: {  	[sflag:s0] =	ssyncset.done $0x0;
	(pc) =	sbr.rel @p0 .LBB2_1-.Ltmp1, $4  }
0x9a: {  	[sflag:s0] =	ssyncadd.s32 $0xFFFFC000  }
0x9b: {  	_ =	swait.ge [sflag:s20], $0x4000  }
0x9c: {  	[sflag:s20] =	ssyncset.done $0x0  }
0x9d: {  	[sflag:s20] =	ssyncadd.s32 $0xFFFFC000  }
0x9e: {  	_ =	sfence.sel $0x180000  }
0x9f: {  	[bflag:$0x0] =	sbarrier.arrive $0xFFFF  }
0xa0: {  	_ =	strace $0x90000047  }
0xa1: {  	s0 =	stileid.u32;
	[bflag:$0x2] =	sbarrier.arrive $0xFFFF  }
0xa2: {  	p0 =	sne.s32 s0, $0x0;
	s0 =	rddreg [dreg:$0x3]  }
0xa3: {  	s0 =	sadd.s32 @!p0 $0x100000, s0  }
0xa4: {  	[sflag:s0] =	ssyncadd.tile.s32 @!p0 $0x1;
	_ =	shalt  }
.Lfunc_end2:
_tile_overlayer_lowered:
.L_overlay_start_2:
0xa5: {  	(tag) =	ssettag $0x2  }
0xa6: {  	s0 =	rddreg [dreg:$0x0];
	s2 =	stileid.u32  }
0xa7: {  	s1 =	rddreg [dreg:$0x1];
	p0 =	sne.s32 s2, $0x0  }
0xa8: {  	s3 =	rddreg [dreg:$0x2];
	[bflag:$0x3] =	sbarrier.arrive $0xFFFF;
	s2 =	simm.s32 @!p0 $0x1C09  }
0xa9: {  	[timem:s3], [sflag:s2] =	dma.local @!p0 [hbm:s0], s1  }
0xaa: {  	s0 =	simm.s32 @!p0 $0x9  }
0xab: {  	_ =	swait.ge @!p0 [sflag:s0], s1  }
0xac: {  	s1 =	ssub.s32 @!p0 $0x0, s1;
	[sflag:s0] =	ssyncset.done @!p0 $0x0  }
0xad: {  	[sflag:s0] =	ssyncadd.s32 @!p0 s1  }
0xae: {  	[bflag:$0x3] =	sbarrier.arrive $0xFFFF  }
0xaf: {  	_ =	shalt  }

</sc_bundles>
